<compile_context>
chip_gen: v7x
topology: tpu7x:2x2x1
jax: 0.10.2.dev20260603
libtpu: 0.0.44.dev20260713+nightly
codegen_flags: <defaults>
</compile_context>

<pallas_src>
import jax
import jax.numpy as jnp
from jax import lax
from jax.experimental import pallas as pl
from jax.experimental.pallas import tpu as pltpu
from jax.experimental.pallas import tpu_sc as plsc

N = 10000
E = 320000
NC = 2
NS = 16
NW = NC * NS
L = 16
CHUNK = 128
NCHUNK = 79
EPW = NCHUNK * CHUNK
E_PAD = NW * EPW
ACC_R = 10240
ZROWS = ACC_R // NS


def _sc_mesh():
    return plsc.VectorSubcoreMesh(
        core_axis_name="c", subcore_axis_name="s", num_cores=NC, num_subcores=NS
    )


def _make_sc_scatter(D, first):
    ZR = 64 if D == 64 else 32

    out_type = [jax.ShapeDtypeStruct((NC, ACC_R, D), jnp.float32)]
    scratch = [
        pltpu.VMEM((CHUNK,), jnp.int32),
        pltpu.VMEM((CHUNK,), jnp.int32),
        pltpu.VMEM((CHUNK, D), jnp.float32),
        pltpu.VMEM((ZR, D), jnp.float32),
        pltpu.VMEM_SHARED((ACC_R, D), jnp.float32),
        pltpu.SemaphoreType.DMA,
    ]
    if first:
        out_type += [
            jax.ShapeDtypeStruct((NC, ACC_R), jnp.float32),
            jax.ShapeDtypeStruct((E_PAD,), jnp.int32),
        ]
        scratch += [
            pltpu.VMEM((CHUNK,), jnp.float32),
            pltpu.VMEM((ZROWS,), jnp.float32),
            pltpu.VMEM_SHARED((ACC_R,), jnp.float32),
        ]

    def body(*refs):
        if first:
            (row_hbm, col_hbm, h_hbm, s_out, cnt_out, colp_out,
             idxr0, idxc0, buf0, zbuf, acc, sem0,
             ones_v, zrow, cntacc) = refs
        else:
            (row_hbm, colp_hbm, h_hbm, s_out,
             idxr0, idxc0, buf0, zbuf, acc, sem0) = refs

        cid = lax.axis_index("c")
        sid = lax.axis_index("s")
        wid = cid * NS + sid
        zf = jnp.zeros((L,), jnp.float32)

        cidx_hbm = col_hbm if first else colp_hbm

        def fix_dst(idxr, idxc):
            for c in range(CHUNK // L):
                r16 = idxr[pl.ds(c * L, L)]
                c16 = idxc[pl.ds(c * L, L)]
                idxc[pl.ds(c * L, L)] = jnp.where(
                    r16 == c16, jnp.int32(N), c16
                )

        def scatter(buf, idxc):
            pltpu.sync_copy(buf, acc.at[idxc], add=True)
            if first:
                pltpu.sync_copy(ones_v, cntacc.at[idxc], add=True)

        def zero_zbuf(r, carry):
            for c in range(D // L):
                zbuf[r, pl.ds(c * L, L)] = zf
            return carry

        lax.fori_loop(0, ZR, zero_zbuf, 0)

        z0 = sid * ZROWS

        def zero_acc(i, carry):
            pltpu.sync_copy(zbuf, acc.at[pl.ds(z0 + i * ZR, ZR), :])
            return carry

        lax.fori_loop(0, ZROWS // ZR, zero_acc, 0)

        if first:
            def zero_zrow(i, carry):
                zrow[pl.ds(i * L, L)] = zf
                return carry

            lax.fori_loop(0, ZROWS // L, zero_zrow, 0)
            pltpu.sync_copy(zrow, cntacc.at[pl.ds(z0, ZROWS)])
            one = jnp.ones((L,), jnp.float32)
            for i in range(CHUNK // L):
                ones_v[pl.ds(i * L, L)] = one

        plsc.subcore_barrier()

        base0 = wid * EPW

        def chunk_body(j, carry):
            base = base0 + j * CHUNK
            pltpu.sync_copy(row_hbm.at[pl.ds(base, CHUNK)], idxr0)
            pltpu.sync_copy(cidx_hbm.at[pl.ds(base, CHUNK)], idxc0)
            if first:
                fix_dst(idxr0, idxc0)
                pltpu.sync_copy(idxc0, colp_out.at[pl.ds(base, CHUNK)])
            pltpu.async_copy(h_hbm.at[idxr0], buf0, sem0).wait()
            scatter(buf0, idxc0)
            return carry

        lax.fori_loop(0, NCHUNK, chunk_body, 0)

        plsc.subcore_barrier()

        def writeback(i, carry):
            r0 = z0 + i * ZR
            pltpu.sync_copy(
                acc.at[pl.ds(r0, ZR), :], s_out.at[cid, pl.ds(r0, ZR), :]
            )
            return carry

        lax.fori_loop(0, ZROWS // ZR, writeback, 0)
        if first:
            pltpu.sync_copy(
                cntacc.at[pl.ds(z0, ZROWS)], cnt_out.at[cid, pl.ds(z0, ZROWS)]
            )

    return pl.kernel(
        body,
        out_type=out_type,
        mesh=_sc_mesh(),
        scratch_types=scratch,
        compiler_params=pltpu.CompilerParams(use_tc_tiling_on_sc=False),
    )


_sc_first = _make_sc_scatter(64, first=True)
_sc_d64 = _make_sc_scatter(64, first=False)
_sc_d128 = _make_sc_scatter(128, first=False)


BN = 2000
GRID = N // BN

_DN = (((1,), (1,)), ((), ()))


def _tc1(x, W1o, W1r):
    def body(x_ref, wo_ref, wr_ref, y_ref, z_ref):
        xb = x_ref[...]
        y_ref[...] = lax.dot_general(
            xb, wo_ref[...], _DN, preferred_element_type=jnp.float32
        )
        z_ref[...] = lax.dot_general(
            xb, wr_ref[...], _DN, preferred_element_type=jnp.float32
        )

    return pl.pallas_call(
        body,
        grid=(GRID,),
        in_specs=[
            pl.BlockSpec((BN, 128), lambda i: (i, 0)),
            pl.BlockSpec((64, 128), lambda i: (0, 0)),
            pl.BlockSpec((64, 128), lambda i: (0, 0)),
        ],
        out_specs=[
            pl.BlockSpec((BN, 64), lambda i: (i, 0)),
            pl.BlockSpec((BN, 64), lambda i: (i, 0)),
        ],
        out_shape=[
            jax.ShapeDtypeStruct((N, 64), jnp.float32),
            jax.ShapeDtypeStruct((N, 64), jnp.float32),
        ],
    )(x, W1o, W1r)


def _tc2(s0, s1, c0, c1, y, z1, b1):
    def body(s0_r, s1_r, c0_r, c1_r, y_r, z_r, b_r, o_r):
        deginv = 1.0 / (1.0 + c0_r[...] + c1_r[...])
        t = deginv * (s0_r[...] + s1_r[...] + y_r[...]) + z_r[...] + b_r[...]
        o_r[...] = jnp.maximum(t, 0.0)

    return pl.pallas_call(
        body,
        grid=(GRID,),
        in_specs=[
            pl.BlockSpec((BN, 64), lambda i: (i, 0)),
            pl.BlockSpec((BN, 64), lambda i: (i, 0)),
            pl.BlockSpec((BN, 1), lambda i: (i, 0)),
            pl.BlockSpec((BN, 1), lambda i: (i, 0)),
            pl.BlockSpec((BN, 64), lambda i: (i, 0)),
            pl.BlockSpec((BN, 64), lambda i: (i, 0)),
            pl.BlockSpec((1, 64), lambda i: (0, 0)),
        ],
        out_specs=pl.BlockSpec((BN, 64), lambda i: (i, 0)),
        out_shape=jax.ShapeDtypeStruct((N, 64), jnp.float32),
    )(s0, s1, c0, c1, y, z1, b1)


def _tc3(s0, s1, c0, c1, h1, W2o, W2r, b2):
    def body(s0_r, s1_r, c0_r, c1_r, h_r, wo_r, wr_r, b_r, o_r):
        deginv = 1.0 / (1.0 + c0_r[...] + c1_r[...])
        h = h_r[...]
        agg = deginv * (s0_r[...] + s1_r[...] + h)
        t = (
            lax.dot_general(agg, wo_r[...], _DN, preferred_element_type=jnp.float32)
            + lax.dot_general(h, wr_r[...], _DN, preferred_element_type=jnp.float32)
            + b_r[...]
        )
        o_r[...] = jnp.maximum(t, 0.0)

    return pl.pallas_call(
        body,
        grid=(GRID,),
        in_specs=[
            pl.BlockSpec((BN, 64), lambda i: (i, 0)),
            pl.BlockSpec((BN, 64), lambda i: (i, 0)),
            pl.BlockSpec((BN, 1), lambda i: (i, 0)),
            pl.BlockSpec((BN, 1), lambda i: (i, 0)),
            pl.BlockSpec((BN, 64), lambda i: (i, 0)),
            pl.BlockSpec((128, 64), lambda i: (0, 0)),
            pl.BlockSpec((128, 64), lambda i: (0, 0)),
            pl.BlockSpec((1, 128), lambda i: (0, 0)),
        ],
        out_specs=pl.BlockSpec((BN, 128), lambda i: (i, 0)),
        out_shape=jax.ShapeDtypeStruct((N, 128), jnp.float32),
    )(s0, s1, c0, c1, h1, W2o, W2r, b2)


def _tc4(s0, s1, c0, c1, h2, W3o, W3r, b3, Wlp, blp):
    def body(s0_r, s1_r, c0_r, c1_r, h_r, wo_r, wr_r, b_r, wl_r, bl_r, o_r):
        deginv = 1.0 / (1.0 + c0_r[...] + c1_r[...])
        h = h_r[...]
        agg = deginv * (s0_r[...] + s1_r[...] + h)
        h3 = jnp.maximum(
            lax.dot_general(agg, wo_r[...], _DN, preferred_element_type=jnp.float32)
            + lax.dot_general(h, wr_r[...], _DN, preferred_element_type=jnp.float32)
            + b_r[...],
            0.0,
        )
        t = (
            lax.dot_general(h3, wl_r[...], _DN, preferred_element_type=jnp.float32)
            + bl_r[...]
        )
        o_r[...] = 1.0 / (1.0 + jnp.exp(-t))

    return pl.pallas_call(
        body,
        grid=(GRID,),
        in_specs=[
            pl.BlockSpec((BN, 128), lambda i: (i, 0)),
            pl.BlockSpec((BN, 128), lambda i: (i, 0)),
            pl.BlockSpec((BN, 1), lambda i: (i, 0)),
            pl.BlockSpec((BN, 1), lambda i: (i, 0)),
            pl.BlockSpec((BN, 128), lambda i: (i, 0)),
            pl.BlockSpec((256, 128), lambda i: (0, 0)),
            pl.BlockSpec((256, 128), lambda i: (0, 0)),
            pl.BlockSpec((1, 256), lambda i: (0, 0)),
            pl.BlockSpec((128, 256), lambda i: (0, 0)),
            pl.BlockSpec((1, 128), lambda i: (0, 0)),
        ],
        out_specs=pl.BlockSpec((BN, 128), lambda i: (i, 0)),
        out_shape=jax.ShapeDtypeStruct((N, 128), jnp.float32),
    )(s0, s1, c0, c1, h2, W3o, W3r, b3, Wlp, blp)


def kernel(x, edge_index, batch_graph, W1o, b1, W1r, W2o, b2, W2r, W3o, b3, W3r,
           Wl, bl):
    del batch_graph
    pad = jnp.zeros((E_PAD - E,), jnp.int32)
    row_p = jnp.concatenate([edge_index[0], pad])
    col_p = jnp.concatenate([edge_index[1], pad])

    y, z1 = _tc1(x, W1o, W1r)
    s1, cnt, colp = _sc_first(row_p, col_p, y)
    c0 = cnt[0, :N, None]
    c1 = cnt[1, :N, None]
    h1 = _tc2(s1[0, :N], s1[1, :N], c0, c1, y, z1, b1[None, :])
    (s2,) = _sc_d64(row_p, colp, h1)
    h2 = _tc3(s2[0, :N], s2[1, :N], c0, c1, h1, W2o, W2r, b2[None, :])
    (s3,) = _sc_d128(row_p, colp, h2)
    Wlp = jnp.zeros((128, 256), jnp.float32).at[:6, :].set(Wl)
    blp = jnp.zeros((128,), jnp.float32).at[:6].set(bl)
    out = _tc4(s3[0, :N], s3[1, :N], c0, c1, h2, W3o, W3r, b3[None, :],
               Wlp, blp[None, :])
    return out[:, :6]

# --- scband reference (transcript-rebuilt; emitter-appended) ---
"""Pipeline reference for scband-gcnconv-net-9612136808894 (READ-ONLY COPY).

The authoritative reference and input builder live on the scoring server;
editing this copy changes nothing except your own understanding.
"""

import jax, jax.numpy as jnp
import numpy as np


def _prep(edge_index, N):
    # remove_self_loops + add_self_loops (PyG ClusterGCNConv semantics)
    row, col = edge_index[0], edge_index[1]
    keep = (row != col).astype(jnp.float32)
    loop = jnp.arange(N, dtype=row.dtype)
    w = jnp.concatenate([keep, jnp.ones((N,), jnp.float32)])
    return jnp.concatenate([row, loop]), jnp.concatenate([col, loop]), w


def _cluster_gcn(x, row, col, w, W_out, b_out, W_root):
    # ClusterGCNConv with diag_lambda=0 (default):
    # deg_inv = 1/clamp(deg_in,1); edge_weight = deg_inv[col]
    # out = lin_out(scatter_add(x[row]*w, col)) + lin_root(x)
    N = x.shape[0]
    deg = jax.ops.segment_sum(w.astype(x.dtype), col, num_segments=N)
    deg_inv = 1.0 / jnp.clip(deg, 1.0, None)
    ew = deg_inv[col] * w.astype(x.dtype)
    agg = jax.ops.segment_sum(x[row] * ew[:, None], col, num_segments=N)
    return agg @ W_out.T + b_out + x @ W_root.T


def _lin_w(k, fan_in, fan_out):
    return jax.random.normal(k, (fan_out, fan_in), jnp.float32) / np.sqrt(fan_in)


def setup_inputs(seed: int = 0) -> dict:
    key = jax.random.key(seed)
    ks = jax.random.split(key, 16)
    N, E, Din, Dout = 10000, 320000, 128, 6
    x = jax.random.normal(ks[0], (N, Din), jnp.float32)
    edge_index = jax.random.randint(ks[1], (2, E), 0, N, dtype=jnp.int32)
    batch_graph = jnp.zeros((N,), jnp.int32)
    return {
        'x': x,
        'edge_index': edge_index,
        'batch_graph': batch_graph,
        'W1o': _lin_w(ks[2], Din, 64), 'b1': jnp.zeros((64,), jnp.float32), 'W1r': _lin_w(ks[3], Din, 64),
        'W2o': _lin_w(ks[4], 64, 128), 'b2': jnp.zeros((128,), jnp.float32), 'W2r': _lin_w(ks[5], 64, 128),
        'W3o': _lin_w(ks[6], 128, 256), 'b3': jnp.zeros((256,), jnp.float32), 'W3r': _lin_w(ks[7], 128, 256),
        'Wl': _lin_w(ks[8], 256, Dout), 'bl': jnp.zeros((Dout,), jnp.float32),
    }


def reference(x, edge_index, batch_graph, W1o, b1, W1r, W2o, b2, W2r, W3o, b3, W3r, Wl, bl):
    N = x.shape[0]
    row, col, w = _prep(edge_index, N)
    h = jax.nn.relu(_cluster_gcn(x, row, col, w, W1o, b1, W1r))
    h = jax.nn.relu(_cluster_gcn(h, row, col, w, W2o, b2, W2r))
    h = jax.nn.relu(_cluster_gcn(h, row, col, w, W3o, b3, W3r))
    # dropout p=0.25 in eval mode -> identity
    out = h @ Wl.T + bl
    return jax.nn.sigmoid(out)

if __name__ == "__main__":
    import jax
    _d = setup_inputs()
    print(jax.jit(kernel)(*tuple(_d.values())))

</pallas_src>

<mosaic_0001>
#map = affine_map<(d0, d1) -> (0)>
#map1 = affine_map<(d0, d1) -> (0, 0)>
#map2 = affine_map<(d0, d1) -> (0, 0, 0)>
module attributes {stable_mosaic.version = 14 : i64} {
  func.func @body(%arg0: i32, %arg1: i32, %arg2: memref<323584xi32, #tpu.memory_space<hbm>>, %arg3: memref<323584xi32, #tpu.memory_space<hbm>>, %arg4: memref<10000x64xf32, #tpu.memory_space<hbm>>, %arg5: memref<2x10240x64xf32, #tpu.memory_space<hbm>>, %arg6: memref<2x10240xf32, #tpu.memory_space<hbm>>, %arg7: memref<323584xi32, #tpu.memory_space<hbm>>, %arg8: memref<128xi32, #tpu.memory_space<vmem>>, %arg9: memref<128xi32, #tpu.memory_space<vmem>>, %arg10: memref<128x64xf32, #tpu.memory_space<vmem>>, %arg11: memref<64x64xf32, #tpu.memory_space<vmem>>, %arg12: memref<10240x64xf32, #tpu.memory_space<vmem_shared>>, %arg13: memref<!tpu.dma_semaphore, #tpu.memory_space<semaphore_mem>>, %arg14: memref<128xf32, #tpu.memory_space<vmem>>, %arg15: memref<640xf32, #tpu.memory_space<vmem>>, %arg16: memref<10240xf32, #tpu.memory_space<vmem_shared>>) attributes {dimension_semantics = [#tpu.dimension_semantics<core_parallel>, #tpu.dimension_semantics<subcore_parallel>], iteration_bounds = array<i64: 2, 16>, scalar_prefetch = 0 : i64, scratch_operands = 9 : i64, tpu.core_type = #tpu.core_type<sc_vector_subcore>, window_params = [{transform_indices = #map}, {transform_indices = #map}, {transform_indices = #map1}, {transform_indices = #map2}, {transform_indices = #map1}, {transform_indices = #map}]} {
    %mul3A = arith.constant 16 : i32
    %mul3A_0 = arith.muli %arg0, %mul3A : i32
    %add3A = arith.addi %mul3A_0, %arg1 : i32
    %broadcast_in_dim3A = arith.constant 0.000000e+00 : f32
    %broadcast_in_dim3A_1 = vector.broadcast %broadcast_in_dim3A : f32 to vector<16xf32>
    %scan3A = arith.constant 0 : i32
    %scan3A_2 = arith.constant 0 : i32
    %scan3A_3 = arith.constant 64 : i32
    %scan3A_4 = arith.addi %scan3A_2, %scan3A_3 : i32
    %scan3A_5 = arith.constant 1 : i32
    scf.for %scan3A_69 = %scan3A_2 to %scan3A_4 step %scan3A_5  : i32 {
      %swap3A_70 = arith.index_cast %scan3A_69 : i32 to index
      %swap3A_71 = arith.constant 0 : index
      %swap3A_72 = tpu.vector_load %arg11[%swap3A_70, %swap3A_71] {strides = array<i32>} : memref<64x64xf32, #tpu.memory_space<vmem>>, vector<1x16xf32>,
      %swap3A_73 = vector.shape_cast %swap3A_72 : vector<1x16xf32> to vector<16xf32>
      %swap3A_74 = vector.shape_cast %broadcast_in_dim3A_1 : vector<16xf32> to vector<1x16xf32>
      tpu.vector_store %arg11[%swap3A_70, %swap3A_71], %swap3A_74 {strides = array<i32>} : memref<64x64xf32, #tpu.memory_space<vmem>>, vector<1x16xf32>,
      %swap3A_75 = arith.index_cast %scan3A_69 : i32 to index
      %swap3A_76 = arith.constant 16 : index
      %swap3A_77 = tpu.vector_load %arg11[%swap3A_75, %swap3A_76] {strides = array<i32>} : memref<64x64xf32, #tpu.memory_space<vmem>>, vector<1x16xf32>,
      %swap3A_78 = vector.shape_cast %swap3A_77 : vector<1x16xf32> to vector<16xf32>
      %swap3A_79 = vector.shape_cast %broadcast_in_dim3A_1 : vector<16xf32> to vector<1x16xf32>
      tpu.vector_store %arg11[%swap3A_75, %swap3A_76], %swap3A_79 {strides = array<i32>} : memref<64x64xf32, #tpu.memory_space<vmem>>, vector<1x16xf32>,
      %swap3A_80 = arith.index_cast %scan3A_69 : i32 to index
      %swap3A_81 = arith.constant 32 : index
      %swap3A_82 = tpu.vector_load %arg11[%swap3A_80, %swap3A_81] {strides = array<i32>} : memref<64x64xf32, #tpu.memory_space<vmem>>, vector<1x16xf32>,
      %swap3A_83 = vector.shape_cast %swap3A_82 : vector<1x16xf32> to vector<16xf32>
      %swap3A_84 = vector.shape_cast %broadcast_in_dim3A_1 : vector<16xf32> to vector<1x16xf32>
      tpu.vector_store %arg11[%swap3A_80, %swap3A_81], %swap3A_84 {strides = array<i32>} : memref<64x64xf32, #tpu.memory_space<vmem>>, vector<1x16xf32>,
      %swap3A_85 = arith.index_cast %scan3A_69 : i32 to index
      %swap3A_86 = arith.constant 48 : index
      %swap3A_87 = tpu.vector_load %arg11[%swap3A_85, %swap3A_86] {strides = array<i32>} : memref<64x64xf32, #tpu.memory_space<vmem>>, vector<1x16xf32>,
      %swap3A_88 = vector.shape_cast %swap3A_87 : vector<1x16xf32> to vector<16xf32>
      %swap3A_89 = vector.shape_cast %broadcast_in_dim3A_1 : vector<16xf32> to vector<1x16xf32>
      tpu.vector_store %arg11[%swap3A_85, %swap3A_86], %swap3A_89 {strides = array<i32>} : memref<64x64xf32, #tpu.memory_space<vmem>>, vector<1x16xf32>,
    }
    %scan3A_6 = arith.constant 64 : i32
    %mul3A_7 = arith.constant 640 : i32
    %mul3A_8 = arith.muli %arg1, %mul3A_7 : i32
    %scan3A_9 = arith.constant 0 : i32
    %scan3A_10 = arith.constant 0 : i32
    %scan3A_11 = arith.constant 10 : i32
    %scan3A_12 = arith.addi %scan3A_10, %scan3A_11 : i32
    %scan3A_13 = arith.constant 1 : i32
    scf.for %scan3A_69 = %scan3A_10 to %scan3A_12 step %scan3A_13  : i32 {
      %mul3A_70 = arith.constant 64 : i32
      %mul3A_71 = arith.muli %scan3A_69, %mul3A_70 : i32
      %add3A_72 = arith.addi %mul3A_8, %mul3A_71 : i32
      "tpu.region"() ({
        %run_scoped3A = tpu.sem_alloc : memref<!tpu.dma_semaphore, #tpu.memory_space<semaphore_mem>>
        %dma_start3A = arith.constant 0 : i32
        %dma_start3A_73 = tpu.memref_slice %arg12[%add3A_72, %dma_start3A] : memref<10240x64xf32, #tpu.memory_space<vmem_shared>> -> memref<64x64xf32, #tpu.memory_space<vmem_shared>>
        %dma_start3A_74 = arith.constant 0 : i32
        %dma_start3A_75 = tpu.memref_slice %arg12[%add3A_72, %dma_start3A_74] : memref<10240x64xf32, #tpu.memory_space<vmem_shared>> -> memref<64x64xf32, #tpu.memory_space<vmem_shared>>
        tpu.enqueue_dma source(%arg11 : memref<64x64xf32, #tpu.memory_space<vmem>>) target(%dma_start3A_75 : memref<64x64xf32, #tpu.memory_space<vmem_shared>>) target_semaphore(%run_scoped3A : memref<!tpu.dma_semaphore, #tpu.memory_space<semaphore_mem>>)
        %dma_wait3A = arith.constant 0 : i32
        %dma_wait3A_76 = tpu.memref_slice %arg12[%add3A_72, %dma_wait3A] : memref<10240x64xf32, #tpu.memory_space<vmem_shared>> -> memref<64x64xf32, #tpu.memory_space<vmem_shared>>
        %dma_wait3A_77 = arith.constant 0 : i32
        %dma_wait3A_78 = tpu.memref_slice %arg12[%add3A_72, %dma_wait3A_77] : memref<10240x64xf32, #tpu.memory_space<vmem_shared>> -> memref<64x64xf32, #tpu.memory_space<vmem_shared>>
        tpu.wait_dma2 semaphore(%run_scoped3A : memref<!tpu.dma_semaphore, #tpu.memory_space<semaphore_mem>>) src(%arg11 : memref<64x64xf32, #tpu.memory_space<vmem>>) dst(%dma_wait3A_78 : memref<64x64xf32, #tpu.memory_space<vmem_shared>>)
        tpu.yield
      }) : () -> ()
    }
    %scan3A_14 = arith.constant 10 : i32
    %scan3A_15 = arith.constant 0 : i32
    %scan3A_16 = arith.constant 0 : i32
    %scan3A_17 = arith.constant 40 : i32
    %scan3A_18 = arith.addi %scan3A_16, %scan3A_17 : i32
    %scan3A_19 = arith.constant 1 : i32
    scf.for %scan3A_69 = %scan3A_16 to %scan3A_18 step %scan3A_19  : i32 {
      %mul3A_70 = arith.constant 16 : i32
      %mul3A_71 = arith.muli %scan3A_69, %mul3A_70 : i32
      %swap3A_72 = arith.index_cast %mul3A_71 : i32 to index
      %swap3A_73 = tpu.vector_load %arg15[%swap3A_72] {strides = array<i32>} : memref<640xf32, #tpu.memory_space<vmem>>, vector<16xf32>,
      %swap3A_74 = vector.shape_cast %swap3A_73 : vector<16xf32> to vector<16xf32>
      %swap3A_75 = vector.shape_cast %broadcast_in_dim3A_1 : vector<16xf32> to vector<16xf32>
      tpu.vector_store %arg15[%swap3A_72], %swap3A_75 {strides = array<i32>} : memref<640xf32, #tpu.memory_space<vmem>>, vector<16xf32>,
    }
    %scan3A_20 = arith.constant 40 : i32
    "tpu.region"() ({
      %run_scoped3A = tpu.sem_alloc : memref<!tpu.dma_semaphore, #tpu.memory_space<semaphore_mem>>
      %dma_start3A = tpu.memref_slice %arg16[%mul3A_8] : memref<10240xf32, #tpu.memory_space<vmem_shared>> -> memref<640xf32, #tpu.memory_space<vmem_shared>>
      %dma_start3A_69 = tpu.memref_slice %arg16[%mul3A_8] : memref<10240xf32, #tpu.memory_space<vmem_shared>> -> memref<640xf32, #tpu.memory_space<vmem_shared>>
      tpu.enqueue_dma source(%arg15 : memref<640xf32, #tpu.memory_space<vmem>>) target(%dma_start3A_69 : memref<640xf32, #tpu.memory_space<vmem_shared>>) target_semaphore(%run_scoped3A : memref<!tpu.dma_semaphore, #tpu.memory_space<semaphore_mem>>)
      %dma_wait3A = tpu.memref_slice %arg16[%mul3A_8] : memref<10240xf32, #tpu.memory_space<vmem_shared>> -> memref<640xf32, #tpu.memory_space<vmem_shared>>
      %dma_wait3A_70 = tpu.memref_slice %arg16[%mul3A_8] : memref<10240xf32, #tpu.memory_space<vmem_shared>> -> memref<640xf32, #tpu.memory_space<vmem_shared>>
      tpu.wait_dma2 semaphore(%run_scoped3A : memref<!tpu.dma_semaphore, #tpu.memory_space<semaphore_mem>>) src(%arg15 : memref<640xf32, #tpu.memory_space<vmem>>) dst(%dma_wait3A_70 : memref<640xf32, #tpu.memory_space<vmem_shared>>)
      tpu.yield
    }) : () -> ()
    %broadcast_in_dim3A_21 = arith.constant 1.000000e+00 : f32
    %broadcast_in_dim3A_22 = vector.broadcast %broadcast_in_dim3A_21 : f32 to vector<16xf32>
    %swap3A = arith.constant 0 : index
    %swap3A_23 = tpu.vector_load %arg14[%swap3A] {strides = array<i32>} : memref<128xf32, #tpu.memory_space<vmem>>, vector<16xf32>,
    %swap3A_24 = vector.shape_cast %swap3A_23 : vector<16xf32> to vector<16xf32>
    %swap3A_25 = vector.shape_cast %broadcast_in_dim3A_22 : vector<16xf32> to vector<16xf32>
    tpu.vector_store %arg14[%swap3A], %swap3A_25 {strides = array<i32>} : memref<128xf32, #tpu.memory_space<vmem>>, vector<16xf32>,
    %swap3A_26 = arith.constant 16 : index
    %swap3A_27 = tpu.vector_load %arg14[%swap3A_26] {strides = array<i32>} : memref<128xf32, #tpu.memory_space<vmem>>, vector<16xf32>,
    %swap3A_28 = vector.shape_cast %swap3A_27 : vector<16xf32> to vector<16xf32>
    %swap3A_29 = vector.shape_cast %broadcast_in_dim3A_22 : vector<16xf32> to vector<16xf32>
    tpu.vector_store %arg14[%swap3A_26], %swap3A_29 {strides = array<i32>} : memref<128xf32, #tpu.memory_space<vmem>>, vector<16xf32>,
    %swap3A_30 = arith.constant 32 : index
    %swap3A_31 = tpu.vector_load %arg14[%swap3A_30] {strides = array<i32>} : memref<128xf32, #tpu.memory_space<vmem>>, vector<16xf32>,
    %swap3A_32 = vector.shape_cast %swap3A_31 : vector<16xf32> to vector<16xf32>
    %swap3A_33 = vector.shape_cast %broadcast_in_dim3A_22 : vector<16xf32> to vector<16xf32>
    tpu.vector_store %arg14[%swap3A_30], %swap3A_33 {strides = array<i32>} : memref<128xf32, #tpu.memory_space<vmem>>, vector<16xf32>,
    %swap3A_34 = arith.constant 48 : index
    %swap3A_35 = tpu.vector_load %arg14[%swap3A_34] {strides = array<i32>} : memref<128xf32, #tpu.memory_space<vmem>>, vector<16xf32>,
    %swap3A_36 = vector.shape_cast %swap3A_35 : vector<16xf32> to vector<16xf32>
    %swap3A_37 = vector.shape_cast %broadcast_in_dim3A_22 : vector<16xf32> to vector<16xf32>
    tpu.vector_store %arg14[%swap3A_34], %swap3A_37 {strides = array<i32>} : memref<128xf32, #tpu.memory_space<vmem>>, vector<16xf32>,
    %swap3A_38 = arith.constant 64 : index
    %swap3A_39 = tpu.vector_load %arg14[%swap3A_38] {strides = array<i32>} : memref<128xf32, #tpu.memory_space<vmem>>, vector<16xf32>,
    %swap3A_40 = vector.shape_cast %swap3A_39 : vector<16xf32> to vector<16xf32>
    %swap3A_41 = vector.shape_cast %broadcast_in_dim3A_22 : vector<16xf32> to vector<16xf32>
    tpu.vector_store %arg14[%swap3A_38], %swap3A_41 {strides = array<i32>} : memref<128xf32, #tpu.memory_space<vmem>>, vector<16xf32>,
    %swap3A_42 = arith.constant 80 : index
    %swap3A_43 = tpu.vector_load %arg14[%swap3A_42] {strides = array<i32>} : memref<128xf32, #tpu.memory_space<vmem>>, vector<16xf32>,
    %swap3A_44 = vector.shape_cast %swap3A_43 : vector<16xf32> to vector<16xf32>
    %swap3A_45 = vector.shape_cast %broadcast_in_dim3A_22 : vector<16xf32> to vector<16xf32>
    tpu.vector_store %arg14[%swap3A_42], %swap3A_45 {strides = array<i32>} : memref<128xf32, #tpu.memory_space<vmem>>, vector<16xf32>,
    %swap3A_46 = arith.constant 96 : index
    %swap3A_47 = tpu.vector_load %arg14[%swap3A_46] {strides = array<i32>} : memref<128xf32, #tpu.memory_space<vmem>>, vector<16xf32>,
    %swap3A_48 = vector.shape_cast %swap3A_47 : vector<16xf32> to vector<16xf32>
    %swap3A_49 = vector.shape_cast %broadcast_in_dim3A_22 : vector<16xf32> to vector<16xf32>
    tpu.vector_store %arg14[%swap3A_46], %swap3A_49 {strides = array<i32>} : memref<128xf32, #tpu.memory_space<vmem>>, vector<16xf32>,
    %swap3A_50 = arith.constant 112 : index
    %swap3A_51 = tpu.vector_load %arg14[%swap3A_50] {strides = array<i32>} : memref<128xf32, #tpu.memory_space<vmem>>, vector<16xf32>,
    %swap3A_52 = vector.shape_cast %swap3A_51 : vector<16xf32> to vector<16xf32>
    %swap3A_53 = vector.shape_cast %broadcast_in_dim3A_22 : vector<16xf32> to vector<16xf32>
    tpu.vector_store %arg14[%swap3A_50], %swap3A_53 {strides = array<i32>} : memref<128xf32, #tpu.memory_space<vmem>>, vector<16xf32>,
    %barrier3A = arith.constant 0 : index
    tpu.barrier barrier_id(%barrier3A)
    %mul3A_54 = arith.constant 10112 : i32
    %mul3A_55 = arith.muli %add3A, %mul3A_54 : i32
    %scan3A_56 = arith.constant 0 : i32
    %scan3A_57 = arith.constant 0 : i32
    %scan3A_58 = arith.constant 79 : i32
    %scan3A_59 = arith.addi %scan3A_57, %scan3A_58 : i32
    %scan3A_60 = arith.constant 1 : i32
    scf.for %scan3A_69 = %scan3A_57 to %scan3A_59 step %scan3A_60  : i32 {
      %mul3A_70 = arith.constant 128 : i32
      %mul3A_71 = arith.muli %scan3A_69, %mul3A_70 : i32
      %add3A_72 = arith.addi %mul3A_55, %mul3A_71 : i32
      "tpu.region"() ({
        %run_scoped3A = tpu.sem_alloc : memref<!tpu.dma_semaphore, #tpu.memory_space<semaphore_mem>>
        %dma_start3A_185 = tpu.memref_slice %arg2[%add3A_72] : memref<323584xi32, #tpu.memory_space<hbm>> -> memref<128xi32, #tpu.memory_space<hbm>>
        %dma_start3A_186 = tpu.memref_slice %arg2[%add3A_72] : memref<323584xi32, #tpu.memory_space<hbm>> -> memref<128xi32, #tpu.memory_space<hbm>>
        tpu.enqueue_dma source(%dma_start3A_186 : memref<128xi32, #tpu.memory_space<hbm>>) target(%arg8 : memref<128xi32, #tpu.memory_space<vmem>>) target_semaphore(%run_scoped3A : memref<!tpu.dma_semaphore, #tpu.memory_space<semaphore_mem>>)
        %dma_wait3A_187 = tpu.memref_slice %arg2[%add3A_72] : memref<323584xi32, #tpu.memory_space<hbm>> -> memref<128xi32, #tpu.memory_space<hbm>>
        %dma_wait3A_188 = tpu.memref_slice %arg2[%add3A_72] : memref<323584xi32, #tpu.memory_space<hbm>> -> memref<128xi32, #tpu.memory_space<hbm>>
        tpu.wait_dma2 semaphore(%run_scoped3A : memref<!tpu.dma_semaphore, #tpu.memory_space<semaphore_mem>>) src(%dma_wait3A_188 : memref<128xi32, #tpu.memory_space<hbm>>) dst(%arg8 : memref<128xi32, #tpu.memory_space<vmem>>)
        tpu.yield
      }) : () -> ()
      "tpu.region"() ({
        %run_scoped3A = tpu.sem_alloc : memref<!tpu.dma_semaphore, #tpu.memory_space<semaphore_mem>>
        %dma_start3A_185 = tpu.memref_slice %arg3[%add3A_72] : memref<323584xi32, #tpu.memory_space<hbm>> -> memref<128xi32, #tpu.memory_space<hbm>>
        %dma_start3A_186 = tpu.memref_slice %arg3[%add3A_72] : memref<323584xi32, #tpu.memory_space<hbm>> -> memref<128xi32, #tpu.memory_space<hbm>>
        tpu.enqueue_dma source(%dma_start3A_186 : memref<128xi32, #tpu.memory_space<hbm>>) target(%arg9 : memref<128xi32, #tpu.memory_space<vmem>>) target_semaphore(%run_scoped3A : memref<!tpu.dma_semaphore, #tpu.memory_space<semaphore_mem>>)
        %dma_wait3A_187 = tpu.memref_slice %arg3[%add3A_72] : memref<323584xi32, #tpu.memory_space<hbm>> -> memref<128xi32, #tpu.memory_space<hbm>>
        %dma_wait3A_188 = tpu.memref_slice %arg3[%add3A_72] : memref<323584xi32, #tpu.memory_space<hbm>> -> memref<128xi32, #tpu.memory_space<hbm>>
        tpu.wait_dma2 semaphore(%run_scoped3A : memref<!tpu.dma_semaphore, #tpu.memory_space<semaphore_mem>>) src(%dma_wait3A_188 : memref<128xi32, #tpu.memory_space<hbm>>) dst(%arg9 : memref<128xi32, #tpu.memory_space<vmem>>)
        tpu.yield
      }) : () -> ()
      %get3A = arith.constant 0 : index
      %get3A_73 = tpu.vector_load %arg8[%get3A] {strides = array<i32>} : memref<128xi32, #tpu.memory_space<vmem>>, vector<16xi32>,
      %get3A_74 = vector.shape_cast %get3A_73 : vector<16xi32> to vector<16xi32>
      %get3A_75 = arith.constant 0 : index
      %get3A_76 = tpu.vector_load %arg9[%get3A_75] {strides = array<i32>} : memref<128xi32, #tpu.memory_space<vmem>>, vector<16xi32>,
      %get3A_77 = vector.shape_cast %get3A_76 : vector<16xi32> to vector<16xi32>
      %eq3A = arith.cmpi eq, %get3A_74, %get3A_77 : vector<16xi32>
      %jit3A = arith.constant 10000 : i32
      %broadcast_in_dim3A_78 = vector.broadcast %jit3A : i32 to vector<16xi32>
      %select_n3A = arith.select %eq3A, %broadcast_in_dim3A_78, %get3A_77 : vector<16xi1>, vector<16xi32>
      %swap3A_79 = arith.constant 0 : index
      %swap3A_80 = tpu.vector_load %arg9[%swap3A_79] {strides = array<i32>} : memref<128xi32, #tpu.memory_space<vmem>>, vector<16xi32>,
      %swap3A_81 = vector.shape_cast %swap3A_80 : vector<16xi32> to vector<16xi32>
      %swap3A_82 = vector.shape_cast %select_n3A : vector<16xi32> to vector<16xi32>
      tpu.vector_store %arg9[%swap3A_79], %swap3A_82 {strides = array<i32>} : memref<128xi32, #tpu.memory_space<vmem>>, vector<16xi32>,
      %get3A_83 = arith.constant 16 : index
      %get3A_84 = tpu.vector_load %arg8[%get3A_83] {strides = array<i32>} : memref<128xi32, #tpu.memory_space<vmem>>, vector<16xi32>,
      %get3A_85 = vector.shape_cast %get3A_84 : vector<16xi32> to vector<16xi32>
      %get3A_86 = arith.constant 16 : index
      %get3A_87 = tpu.vector_load %arg9[%get3A_86] {strides = array<i32>} : memref<128xi32, #tpu.memory_space<vmem>>, vector<16xi32>,
      %get3A_88 = vector.shape_cast %get3A_87 : vector<16xi32> to vector<16xi32>
      %eq3A_89 = arith.cmpi eq, %get3A_85, %get3A_88 : vector<16xi32>
      %jit3A_90 = arith.constant 10000 : i32
      %broadcast_in_dim3A_91 = vector.broadcast %jit3A_90 : i32 to vector<16xi32>
      %select_n3A_92 = arith.select %eq3A_89, %broadcast_in_dim3A_91, %get3A_88 : vector<16xi1>, vector<16xi32>
      %swap3A_93 = arith.constant 16 : index
      %swap3A_94 = tpu.vector_load %arg9[%swap3A_93] {strides = array<i32>} : memref<128xi32, #tpu.memory_space<vmem>>, vector<16xi32>,
      %swap3A_95 = vector.shape_cast %swap3A_94 : vector<16xi32> to vector<16xi32>
      %swap3A_96 = vector.shape_cast %select_n3A_92 : vector<16xi32> to vector<16xi32>
      tpu.vector_store %arg9[%swap3A_93], %swap3A_96 {strides = array<i32>} : memref<128xi32, #tpu.memory_space<vmem>>, vector<16xi32>,
      %get3A_97 = arith.constant 32 : index
      %get3A_98 = tpu.vector_load %arg8[%get3A_97] {strides = array<i32>} : memref<128xi32, #tpu.memory_space<vmem>>, vector<16xi32>,
      %get3A_99 = vector.shape_cast %get3A_98 : vector<16xi32> to vector<16xi32>
      %get3A_100 = arith.constant 32 : index
      %get3A_101 = tpu.vector_load %arg9[%get3A_100] {strides = array<i32>} : memref<128xi32, #tpu.memory_space<vmem>>, vector<16xi32>,
      %get3A_102 = vector.shape_cast %get3A_101 : vector<16xi32> to vector<16xi32>
      %eq3A_103 = arith.cmpi eq, %get3A_99, %get3A_102 : vector<16xi32>
      %jit3A_104 = arith.constant 10000 : i32
      %broadcast_in_dim3A_105 = vector.broadcast %jit3A_104 : i32 to vector<16xi32>
      %select_n3A_106 = arith.select %eq3A_103, %broadcast_in_dim3A_105, %get3A_102 : vector<16xi1>, vector<16xi32>
      %swap3A_107 = arith.constant 32 : index
      %swap3A_108 = tpu.vector_load %arg9[%swap3A_107] {strides = array<i32>} : memref<128xi32, #tpu.memory_space<vmem>>, vector<16xi32>,
      %swap3A_109 = vector.shape_cast %swap3A_108 : vector<16xi32> to vector<16xi32>
      %swap3A_110 = vector.shape_cast %select_n3A_106 : vector<16xi32> to vector<16xi32>
      tpu.vector_store %arg9[%swap3A_107], %swap3A_110 {strides = array<i32>} : memref<128xi32, #tpu.memory_space<vmem>>, vector<16xi32>,
      %get3A_111 = arith.constant 48 : index
      %get3A_112 = tpu.vector_load %arg8[%get3A_111] {strides = array<i32>} : memref<128xi32, #tpu.memory_space<vmem>>, vector<16xi32>,
      %get3A_113 = vector.shape_cast %get3A_112 : vector<16xi32> to vector<16xi32>
      %get3A_114 = arith.constant 48 : index
      %get3A_115 = tpu.vector_load %arg9[%get3A_114] {strides = array<i32>} : memref<128xi32, #tpu.memory_space<vmem>>, vector<16xi32>,
      %get3A_116 = vector.shape_cast %get3A_115 : vector<16xi32> to vector<16xi32>
      %eq3A_117 = arith.cmpi eq, %get3A_113, %get3A_116 : vector<16xi32>
      %jit3A_118 = arith.constant 10000 : i32
      %broadcast_in_dim3A_119 = vector.broadcast %jit3A_118 : i32 to vector<16xi32>
      %select_n3A_120 = arith.select %eq3A_117, %broadcast_in_dim3A_119, %get3A_116 : vector<16xi1>, vector<16xi32>
      %swap3A_121 = arith.constant 48 : index
      %swap3A_122 = tpu.vector_load %arg9[%swap3A_121] {strides = array<i32>} : memref<128xi32, #tpu.memory_space<vmem>>, vector<16xi32>,
      %swap3A_123 = vector.shape_cast %swap3A_122 : vector<16xi32> to vector<16xi32>
      %swap3A_124 = vector.shape_cast %select_n3A_120 : vector<16xi32> to vector<16xi32>
      tpu.vector_store %arg9[%swap3A_121], %swap3A_124 {strides = array<i32>} : memref<128xi32, #tpu.memory_space<vmem>>, vector<16xi32>,
      %get3A_125 = arith.constant 64 : index
      %get3A_126 = tpu.vector_load %arg8[%get3A_125] {strides = array<i32>} : memref<128xi32, #tpu.memory_space<vmem>>, vector<16xi32>,
      %get3A_127 = vector.shape_cast %get3A_126 : vector<16xi32> to vector<16xi32>
      %get3A_128 = arith.constant 64 : index
      %get3A_129 = tpu.vector_load %arg9[%get3A_128] {strides = array<i32>} : memref<128xi32, #tpu.memory_space<vmem>>, vector<16xi32>,
      %get3A_130 = vector.shape_cast %get3A_129 : vector<16xi32> to vector<16xi32>
      %eq3A_131 = arith.cmpi eq, %get3A_127, %get3A_130 : vector<16xi32>
      %jit3A_132 = arith.constant 10000 : i32
      %broadcast_in_dim3A_133 = vector.broadcast %jit3A_132 : i32 to vector<16xi32>
      %select_n3A_134 = arith.select %eq3A_131, %broadcast_in_dim3A_133, %get3A_130 : vector<16xi1>, vector<16xi32>
      %swap3A_135 = arith.constant 64 : index
      %swap3A_136 = tpu.vector_load %arg9[%swap3A_135] {strides = array<i32>} : memref<128xi32, #tpu.memory_space<vmem>>, vector<16xi32>,
      %swap3A_137 = vector.shape_cast %swap3A_136 : vector<16xi32> to vector<16xi32>
      %swap3A_138 = vector.shape_cast %select_n3A_134 : vector<16xi32> to vector<16xi32>
      tpu.vector_store %arg9[%swap3A_135], %swap3A_138 {strides = array<i32>} : memref<128xi32, #tpu.memory_space<vmem>>, vector<16xi32>,
      %get3A_139 = arith.constant 80 : index
      %get3A_140 = tpu.vector_load %arg8[%get3A_139] {strides = array<i32>} : memref<128xi32, #tpu.memory_space<vmem>>, vector<16xi32>,
      %get3A_141 = vector.shape_cast %get3A_140 : vector<16xi32> to vector<16xi32>
      %get3A_142 = arith.constant 80 : index
      %get3A_143 = tpu.vector_load %arg9[%get3A_142] {strides = array<i32>} : memref<128xi32, #tpu.memory_space<vmem>>, vector<16xi32>,
      %get3A_144 = vector.shape_cast %get3A_143 : vector<16xi32> to vector<16xi32>
      %eq3A_145 = arith.cmpi eq, %get3A_141, %get3A_144 : vector<16xi32>
      %jit3A_146 = arith.constant 10000 : i32
      %broadcast_in_dim3A_147 = vector.broadcast %jit3A_146 : i32 to vector<16xi32>
      %select_n3A_148 = arith.select %eq3A_145, %broadcast_in_dim3A_147, %get3A_144 : vector<16xi1>, vector<16xi32>
      %swap3A_149 = arith.constant 80 : index
      %swap3A_150 = tpu.vector_load %arg9[%swap3A_149] {strides = array<i32>} : memref<128xi32, #tpu.memory_space<vmem>>, vector<16xi32>,
      %swap3A_151 = vector.shape_cast %swap3A_150 : vector<16xi32> to vector<16xi32>
      %swap3A_152 = vector.shape_cast %select_n3A_148 : vector<16xi32> to vector<16xi32>
      tpu.vector_store %arg9[%swap3A_149], %swap3A_152 {strides = array<i32>} : memref<128xi32, #tpu.memory_space<vmem>>, vector<16xi32>,
      %get3A_153 = arith.constant 96 : index
      %get3A_154 = tpu.vector_load %arg8[%get3A_153] {strides = array<i32>} : memref<128xi32, #tpu.memory_space<vmem>>, vector<16xi32>,
      %get3A_155 = vector.shape_cast %get3A_154 : vector<16xi32> to vector<16xi32>
      %get3A_156 = arith.constant 96 : index
      %get3A_157 = tpu.vector_load %arg9[%get3A_156] {strides = array<i32>} : memref<128xi32, #tpu.memory_space<vmem>>, vector<16xi32>,
      %get3A_158 = vector.shape_cast %get3A_157 : vector<16xi32> to vector<16xi32>
      %eq3A_159 = arith.cmpi eq, %get3A_155, %get3A_158 : vector<16xi32>
      %jit3A_160 = arith.constant 10000 : i32
      %broadcast_in_dim3A_161 = vector.broadcast %jit3A_160 : i32 to vector<16xi32>
      %select_n3A_162 = arith.select %eq3A_159, %broadcast_in_dim3A_161, %get3A_158 : vector<16xi1>, vector<16xi32>
      %swap3A_163 = arith.constant 96 : index
      %swap3A_164 = tpu.vector_load %arg9[%swap3A_163] {strides = array<i32>} : memref<128xi32, #tpu.memory_space<vmem>>, vector<16xi32>,
      %swap3A_165 = vector.shape_cast %swap3A_164 : vector<16xi32> to vector<16xi32>
      %swap3A_166 = vector.shape_cast %select_n3A_162 : vector<16xi32> to vector<16xi32>
      tpu.vector_store %arg9[%swap3A_163], %swap3A_166 {strides = array<i32>} : memref<128xi32, #tpu.memory_space<vmem>>, vector<16xi32>,
      %get3A_167 = arith.constant 112 : index
      %get3A_168 = tpu.vector_load %arg8[%get3A_167] {strides = array<i32>} : memref<128xi32, #tpu.memory_space<vmem>>, vector<16xi32>,
      %get3A_169 = vector.shape_cast %get3A_168 : vector<16xi32> to vector<16xi32>
      %get3A_170 = arith.constant 112 : index
      %get3A_171 = tpu.vector_load %arg9[%get3A_170] {strides = array<i32>} : memref<128xi32, #tpu.memory_space<vmem>>, vector<16xi32>,
      %get3A_172 = vector.shape_cast %get3A_171 : vector<16xi32> to vector<16xi32>
      %eq3A_173 = arith.cmpi eq, %get3A_169, %get3A_172 : vector<16xi32>
      %jit3A_174 = arith.constant 10000 : i32
      %broadcast_in_dim3A_175 = vector.broadcast %jit3A_174 : i32 to vector<16xi32>
      %select_n3A_176 = arith.select %eq3A_173, %broadcast_in_dim3A_175, %get3A_172 : vector<16xi1>, vector<16xi32>
      %swap3A_177 = arith.constant 112 : index
      %swap3A_178 = tpu.vector_load %arg9[%swap3A_177] {strides = array<i32>} : memref<128xi32, #tpu.memory_space<vmem>>, vector<16xi32>,
      %swap3A_179 = vector.shape_cast %swap3A_178 : vector<16xi32> to vector<16xi32>
      %swap3A_180 = vector.shape_cast %select_n3A_176 : vector<16xi32> to vector<16xi32>
      tpu.vector_store %arg9[%swap3A_177], %swap3A_180 {strides = array<i32>} : memref<128xi32, #tpu.memory_space<vmem>>, vector<16xi32>,
      "tpu.region"() ({
        %run_scoped3A = tpu.sem_alloc : memref<!tpu.dma_semaphore, #tpu.memory_space<semaphore_mem>>
        %dma_start3A_185 = tpu.memref_slice %arg7[%add3A_72] : memref<323584xi32, #tpu.memory_space<hbm>> -> memref<128xi32, #tpu.memory_space<hbm>>
        %dma_start3A_186 = tpu.memref_slice %arg7[%add3A_72] : memref<323584xi32, #tpu.memory_space<hbm>> -> memref<128xi32, #tpu.memory_space<hbm>>
        tpu.enqueue_dma source(%arg9 : memref<128xi32, #tpu.memory_space<vmem>>) target(%dma_start3A_186 : memref<128xi32, #tpu.memory_space<hbm>>) target_semaphore(%run_scoped3A : memref<!tpu.dma_semaphore, #tpu.memory_space<semaphore_mem>>)
        %dma_wait3A_187 = tpu.memref_slice %arg7[%add3A_72] : memref<323584xi32, #tpu.memory_space<hbm>> -> memref<128xi32, #tpu.memory_space<hbm>>
        %dma_wait3A_188 = tpu.memref_slice %arg7[%add3A_72] : memref<323584xi32, #tpu.memory_space<hbm>> -> memref<128xi32, #tpu.memory_space<hbm>>
        tpu.wait_dma2 semaphore(%run_scoped3A : memref<!tpu.dma_semaphore, #tpu.memory_space<semaphore_mem>>) src(%arg9 : memref<128xi32, #tpu.memory_space<vmem>>) dst(%dma_wait3A_188 : memref<128xi32, #tpu.memory_space<hbm>>)
        tpu.yield
      }) : () -> ()
      %dma_start3A = arith.constant 0 : i32
      %dma_start3A_181 = arith.constant 0 : i32
      %dma_start3A_182 = tpu.memref_slice %arg4[%dma_start3A, %dma_start3A_181] : memref<10000x64xf32, #tpu.memory_space<hbm>> -> memref<10000x64xf32, #tpu.memory_space<hbm>>
      tpu.enqueue_indirect_dma source(%dma_start3A_182 : memref<10000x64xf32, #tpu.memory_space<hbm>>) target(%arg10 : memref<128x64xf32, #tpu.memory_space<vmem>>) offsets(%arg8 : memref<128xi32, #tpu.memory_space<vmem>>) semaphore(%arg13 : memref<!tpu.dma_semaphore, #tpu.memory_space<semaphore_mem>>)
      %dma_wait3A = arith.constant 0 : i32
      %dma_wait3A_183 = arith.constant 0 : i32
      %dma_wait3A_184 = tpu.memref_slice %arg4[%dma_wait3A, %dma_wait3A_183] : memref<10000x64xf32, #tpu.memory_space<hbm>> -> memref<10000x64xf32, #tpu.memory_space<hbm>>
      tpu.wait_indirect_dma semaphore(%arg13 : memref<!tpu.dma_semaphore, #tpu.memory_space<semaphore_mem>>) src(%dma_wait3A_184 : memref<10000x64xf32, #tpu.memory_space<hbm>>) dst(%arg10 : memref<128x64xf32, #tpu.memory_space<vmem>>)
      "tpu.region"() ({
        %run_scoped3A = tpu.sem_alloc : memref<!tpu.dma_semaphore, #tpu.memory_space<semaphore_mem>>
        %dma_start3A_185 = arith.constant 0 : i32
        %dma_start3A_186 = arith.constant 0 : i32
        %dma_start3A_187 = tpu.memref_slice %arg12[%dma_start3A_185, %dma_start3A_186] : memref<10240x64xf32, #tpu.memory_space<vmem_shared>> -> memref<10240x64xf32, #tpu.memory_space<vmem_shared>>
        tpu.enqueue_indirect_dma source(%arg10 : memref<128x64xf32, #tpu.memory_space<vmem>>) target(%dma_start3A_187 : memref<10240x64xf32, #tpu.memory_space<vmem_shared>>) offsets(%arg9 : memref<128xi32, #tpu.memory_space<vmem>>) semaphore(%run_scoped3A : memref<!tpu.dma_semaphore, #tpu.memory_space<semaphore_mem>>) {add = true}
        %dma_wait3A_188 = arith.constant 0 : i32
        %dma_wait3A_189 = arith.constant 0 : i32
        %dma_wait3A_190 = tpu.memref_slice %arg12[%dma_wait3A_188, %dma_wait3A_189] : memref<10240x64xf32, #tpu.memory_space<vmem_shared>> -> memref<10240x64xf32, #tpu.memory_space<vmem_shared>>
        tpu.wait_indirect_dma semaphore(%run_scoped3A : memref<!tpu.dma_semaphore, #tpu.memory_space<semaphore_mem>>) src(%arg10 : memref<128x64xf32, #tpu.memory_space<vmem>>) dst(%dma_wait3A_190 : memref<10240x64xf32, #tpu.memory_space<vmem_shared>>)
        tpu.yield
      }) : () -> ()
      "tpu.region"() ({
        %run_scoped3A = tpu.sem_alloc : memref<!tpu.dma_semaphore, #tpu.memory_space<semaphore_mem>>
        %dma_start3A_185 = arith.constant 0 : i32
        %dma_start3A_186 = tpu.memref_slice %arg16[%dma_start3A_185] : memref<10240xf32, #tpu.memory_space<vmem_shared>> -> memref<10240xf32, #tpu.memory_space<vmem_shared>>
        tpu.enqueue_indirect_dma source(%arg14 : memref<128xf32, #tpu.memory_space<vmem>>) target(%dma_start3A_186 : memref<10240xf32, #tpu.memory_space<vmem_shared>>) offsets(%arg9 : memref<128xi32, #tpu.memory_space<vmem>>) semaphore(%run_scoped3A : memref<!tpu.dma_semaphore, #tpu.memory_space<semaphore_mem>>) {add = true}
        %dma_wait3A_187 = arith.constant 0 : i32
        %dma_wait3A_188 = tpu.memref_slice %arg16[%dma_wait3A_187] : memref<10240xf32, #tpu.memory_space<vmem_shared>> -> memref<10240xf32, #tpu.memory_space<vmem_shared>>
        tpu.wait_indirect_dma semaphore(%run_scoped3A : memref<!tpu.dma_semaphore, #tpu.memory_space<semaphore_mem>>) src(%arg14 : memref<128xf32, #tpu.memory_space<vmem>>) dst(%dma_wait3A_188 : memref<10240xf32, #tpu.memory_space<vmem_shared>>)
        tpu.yield
      }) : () -> ()
    }
    %scan3A_61 = arith.constant 79 : i32
    %barrier3A_62 = arith.constant 0 : index
    tpu.barrier barrier_id(%barrier3A_62)
    %scan3A_63 = arith.constant 0 : i32
    %scan3A_64 = arith.constant 0 : i32
    %scan3A_65 = arith.constant 10 : i32
    %scan3A_66 = arith.addi %scan3A_64, %scan3A_65 : i32
    %scan3A_67 = arith.constant 1 : i32
    scf.for %scan3A_69 = %scan3A_64 to %scan3A_66 step %scan3A_67  : i32 {
      %mul3A_70 = arith.constant 64 : i32
      %mul3A_71 = arith.muli %scan3A_69, %mul3A_70 : i32
      %add3A_72 = arith.addi %mul3A_8, %mul3A_71 : i32
      "tpu.region"() ({
        %run_scoped3A = tpu.sem_alloc : memref<!tpu.dma_semaphore, #tpu.memory_space<semaphore_mem>>
        %dma_start3A = arith.constant 0 : i32
        %dma_start3A_73 = tpu.memref_slice %arg5[%arg0, %add3A_72, %dma_start3A] : memref<2x10240x64xf32, #tpu.memory_space<hbm>> -> memref<1x64x64xf32, #tpu.memory_space<hbm>>
        %dma_start3A_74 = tpu.memref_squeeze %dma_start3A_73 : memref<1x64x64xf32, #tpu.memory_space<hbm>> -> memref<64x64xf32, #tpu.memory_space<hbm>>
        %dma_start3A_75 = arith.constant 0 : i32
        %dma_start3A_76 = tpu.memref_slice %arg12[%add3A_72, %dma_start3A_75] : memref<10240x64xf32, #tpu.memory_space<vmem_shared>> -> memref<64x64xf32, #tpu.memory_space<vmem_shared>>
        tpu.enqueue_dma source(%dma_start3A_76 : memref<64x64xf32, #tpu.memory_space<vmem_shared>>) target(%dma_start3A_74 : memref<64x64xf32, #tpu.memory_space<hbm>>) target_semaphore(%run_scoped3A : memref<!tpu.dma_semaphore, #tpu.memory_space<semaphore_mem>>)
        %dma_wait3A = arith.constant 0 : i32
        %dma_wait3A_77 = tpu.memref_slice %arg5[%arg0, %add3A_72, %dma_wait3A] : memref<2x10240x64xf32, #tpu.memory_space<hbm>> -> memref<1x64x64xf32, #tpu.memory_space<hbm>>
        %dma_wait3A_78 = tpu.memref_squeeze %dma_wait3A_77 : memref<1x64x64xf32, #tpu.memory_space<hbm>> -> memref<64x64xf32, #tpu.memory_space<hbm>>
        %dma_wait3A_79 = arith.constant 0 : i32
        %dma_wait3A_80 = tpu.memref_slice %arg12[%add3A_72, %dma_wait3A_79] : memref<10240x64xf32, #tpu.memory_space<vmem_shared>> -> memref<64x64xf32, #tpu.memory_space<vmem_shared>>
        tpu.wait_dma2 semaphore(%run_scoped3A : memref<!tpu.dma_semaphore, #tpu.memory_space<semaphore_mem>>) src(%dma_wait3A_80 : memref<64x64xf32, #tpu.memory_space<vmem_shared>>) dst(%dma_wait3A_78 : memref<64x64xf32, #tpu.memory_space<hbm>>)
        tpu.yield
      }) : () -> ()
    }
    %scan3A_68 = arith.constant 10 : i32
    "tpu.region"() ({
      %run_scoped3A = tpu.sem_alloc : memref<!tpu.dma_semaphore, #tpu.memory_space<semaphore_mem>>
      %dma_start3A = tpu.memref_slice %arg6[%arg0, %mul3A_8] : memref<2x10240xf32, #tpu.memory_space<hbm>> -> memref<1x640xf32, #tpu.memory_space<hbm>>
      %dma_start3A_69 = tpu.memref_squeeze %dma_start3A : memref<1x640xf32, #tpu.memory_space<hbm>> -> memref<640xf32, #tpu.memory_space<hbm>>
      %dma_start3A_70 = tpu.memref_slice %arg16[%mul3A_8] : memref<10240xf32, #tpu.memory_space<vmem_shared>> -> memref<640xf32, #tpu.memory_space<vmem_shared>>
      tpu.enqueue_dma source(%dma_start3A_70 : memref<640xf32, #tpu.memory_space<vmem_shared>>) target(%dma_start3A_69 : memref<640xf32, #tpu.memory_space<hbm>>) target_semaphore(%run_scoped3A : memref<!tpu.dma_semaphore, #tpu.memory_space<semaphore_mem>>)
      %dma_wait3A = tpu.memref_slice %arg6[%arg0, %mul3A_8] : memref<2x10240xf32, #tpu.memory_space<hbm>> -> memref<1x640xf32, #tpu.memory_space<hbm>>
      %dma_wait3A_71 = tpu.memref_squeeze %dma_wait3A : memref<1x640xf32, #tpu.memory_space<hbm>> -> memref<640xf32, #tpu.memory_space<hbm>>
      %dma_wait3A_72 = tpu.memref_slice %arg16[%mul3A_8] : memref<10240xf32, #tpu.memory_space<vmem_shared>> -> memref<640xf32, #tpu.memory_space<vmem_shared>>
      tpu.wait_dma2 semaphore(%run_scoped3A : memref<!tpu.dma_semaphore, #tpu.memory_space<semaphore_mem>>) src(%dma_wait3A_72 : memref<640xf32, #tpu.memory_space<vmem_shared>>) dst(%dma_wait3A_71 : memref<640xf32, #tpu.memory_space<hbm>>)
      tpu.yield
    }) : () -> ()
    return
  }
}

#map = affine_map<(d0, d1) -> (0)>
#map1 = affine_map<(d0, d1) -> (0, 0)>
#map2 = affine_map<(d0, d1) -> (0, 0, 0)>
module attributes {stable_mosaic.version = 14 : i64} {
  func.func @body(%arg0: i32, %arg1: i32, %arg2: memref<323584xi32, #tpu.memory_space<hbm>>, %arg3: memref<323584xi32, #tpu.memory_space<hbm>>, %arg4: memref<10000x64xf32, #tpu.memory_space<hbm>>, %arg5: memref<2x10240x64xf32, #tpu.memory_space<hbm>>, %arg6: memref<128xi32, #tpu.memory_space<vmem>>, %arg7: memref<128xi32, #tpu.memory_space<vmem>>, %arg8: memref<128x64xf32, #tpu.memory_space<vmem>>, %arg9: memref<64x64xf32, #tpu.memory_space<vmem>>, %arg10: memref<10240x64xf32, #tpu.memory_space<vmem_shared>>, %arg11: memref<!tpu.dma_semaphore, #tpu.memory_space<semaphore_mem>>) attributes {dimension_semantics = [#tpu.dimension_semantics<core_parallel>, #tpu.dimension_semantics<subcore_parallel>], iteration_bounds = array<i64: 2, 16>, scalar_prefetch = 0 : i64, scratch_operands = 6 : i64, tpu.core_type = #tpu.core_type<sc_vector_subcore>, window_params = [{transform_indices = #map}, {transform_indices = #map}, {transform_indices = #map1}, {transform_indices = #map2}]} {
    %mul3A = arith.constant 16 : i32
    %mul3A_0 = arith.muli %arg0, %mul3A : i32
    %add3A = arith.addi %mul3A_0, %arg1 : i32
    %broadcast_in_dim3A = arith.constant 0.000000e+00 : f32
    %broadcast_in_dim3A_1 = vector.broadcast %broadcast_in_dim3A : f32 to vector<16xf32>
    %scan3A = arith.constant 0 : i32
    %scan3A_2 = arith.constant 0 : i32
    %scan3A_3 = arith.constant 64 : i32
    %scan3A_4 = arith.addi %scan3A_2, %scan3A_3 : i32
    %scan3A_5 = arith.constant 1 : i32
    scf.for %scan3A_30 = %scan3A_2 to %scan3A_4 step %scan3A_5  : i32 {
      %swap3A = arith.index_cast %scan3A_30 : i32 to index
      %swap3A_31 = arith.constant 0 : index
      %swap3A_32 = tpu.vector_load %arg9[%swap3A, %swap3A_31] {strides = array<i32>} : memref<64x64xf32, #tpu.memory_space<vmem>>, vector<1x16xf32>,
      %swap3A_33 = vector.shape_cast %swap3A_32 : vector<1x16xf32> to vector<16xf32>
      %swap3A_34 = vector.shape_cast %broadcast_in_dim3A_1 : vector<16xf32> to vector<1x16xf32>
      tpu.vector_store %arg9[%swap3A, %swap3A_31], %swap3A_34 {strides = array<i32>} : memref<64x64xf32, #tpu.memory_space<vmem>>, vector<1x16xf32>,
      %swap3A_35 = arith.index_cast %scan3A_30 : i32 to index
      %swap3A_36 = arith.constant 16 : index
      %swap3A_37 = tpu.vector_load %arg9[%swap3A_35, %swap3A_36] {strides = array<i32>} : memref<64x64xf32, #tpu.memory_space<vmem>>, vector<1x16xf32>,
      %swap3A_38 = vector.shape_cast %swap3A_37 : vector<1x16xf32> to vector<16xf32>
      %swap3A_39 = vector.shape_cast %broadcast_in_dim3A_1 : vector<16xf32> to vector<1x16xf32>
      tpu.vector_store %arg9[%swap3A_35, %swap3A_36], %swap3A_39 {strides = array<i32>} : memref<64x64xf32, #tpu.memory_space<vmem>>, vector<1x16xf32>,
      %swap3A_40 = arith.index_cast %scan3A_30 : i32 to index
      %swap3A_41 = arith.constant 32 : index
      %swap3A_42 = tpu.vector_load %arg9[%swap3A_40, %swap3A_41] {strides = array<i32>} : memref<64x64xf32, #tpu.memory_space<vmem>>, vector<1x16xf32>,
      %swap3A_43 = vector.shape_cast %swap3A_42 : vector<1x16xf32> to vector<16xf32>
      %swap3A_44 = vector.shape_cast %broadcast_in_dim3A_1 : vector<16xf32> to vector<1x16xf32>
      tpu.vector_store %arg9[%swap3A_40, %swap3A_41], %swap3A_44 {strides = array<i32>} : memref<64x64xf32, #tpu.memory_space<vmem>>, vector<1x16xf32>,
      %swap3A_45 = arith.index_cast %scan3A_30 : i32 to index
      %swap3A_46 = arith.constant 48 : index
      %swap3A_47 = tpu.vector_load %arg9[%swap3A_45, %swap3A_46] {strides = array<i32>} : memref<64x64xf32, #tpu.memory_space<vmem>>, vector<1x16xf32>,
      %swap3A_48 = vector.shape_cast %swap3A_47 : vector<1x16xf32> to vector<16xf32>
      %swap3A_49 = vector.shape_cast %broadcast_in_dim3A_1 : vector<16xf32> to vector<1x16xf32>
      tpu.vector_store %arg9[%swap3A_45, %swap3A_46], %swap3A_49 {strides = array<i32>} : memref<64x64xf32, #tpu.memory_space<vmem>>, vector<1x16xf32>,
    }
    %scan3A_6 = arith.constant 64 : i32
    %mul3A_7 = arith.constant 640 : i32
    %mul3A_8 = arith.muli %arg1, %mul3A_7 : i32
    %scan3A_9 = arith.constant 0 : i32
    %scan3A_10 = arith.constant 0 : i32
    %scan3A_11 = arith.constant 10 : i32
    %scan3A_12 = arith.addi %scan3A_10, %scan3A_11 : i32
    %scan3A_13 = arith.constant 1 : i32
    scf.for %scan3A_30 = %scan3A_10 to %scan3A_12 step %scan3A_13  : i32 {
      %mul3A_31 = arith.constant 64 : i32
      %mul3A_32 = arith.muli %scan3A_30, %mul3A_31 : i32
      %add3A_33 = arith.addi %mul3A_8, %mul3A_32 : i32
      "tpu.region"() ({
        %run_scoped3A = tpu.sem_alloc : memref<!tpu.dma_semaphore, #tpu.memory_space<semaphore_mem>>
        %dma_start3A = arith.constant 0 : i32
        %dma_start3A_34 = tpu.memref_slice %arg10[%add3A_33, %dma_start3A] : memref<10240x64xf32, #tpu.memory_space<vmem_shared>> -> memref<64x64xf32, #tpu.memory_space<vmem_shared>>
        %dma_start3A_35 = arith.constant 0 : i32
        %dma_start3A_36 = tpu.memref_slice %arg10[%add3A_33, %dma_start3A_35] : memref<10240x64xf32, #tpu.memory_space<vmem_shared>> -> memref<64x64xf32, #tpu.memory_space<vmem_shared>>
        tpu.enqueue_dma source(%arg9 : memref<64x64xf32, #tpu.memory_space<vmem>>) target(%dma_start3A_36 : memref<64x64xf32, #tpu.memory_space<vmem_shared>>) target_semaphore(%run_scoped3A : memref<!tpu.dma_semaphore, #tpu.memory_space<semaphore_mem>>)
        %dma_wait3A = arith.constant 0 : i32
        %dma_wait3A_37 = tpu.memref_slice %arg10[%add3A_33, %dma_wait3A] : memref<10240x64xf32, #tpu.memory_space<vmem_shared>> -> memref<64x64xf32, #tpu.memory_space<vmem_shared>>
        %dma_wait3A_38 = arith.constant 0 : i32
        %dma_wait3A_39 = tpu.memref_slice %arg10[%add3A_33, %dma_wait3A_38] : memref<10240x64xf32, #tpu.memory_space<vmem_shared>> -> memref<64x64xf32, #tpu.memory_space<vmem_shared>>
        tpu.wait_dma2 semaphore(%run_scoped3A : memref<!tpu.dma_semaphore, #tpu.memory_space<semaphore_mem>>) src(%arg9 : memref<64x64xf32, #tpu.memory_space<vmem>>) dst(%dma_wait3A_39 : memref<64x64xf32, #tpu.memory_space<vmem_shared>>)
        tpu.yield
      }) : () -> ()
    }
    %scan3A_14 = arith.constant 10 : i32
    %barrier3A = arith.constant 0 : index
    tpu.barrier barrier_id(%barrier3A)
    %mul3A_15 = arith.constant 10112 : i32
    %mul3A_16 = arith.muli %add3A, %mul3A_15 : i32
    %scan3A_17 = arith.constant 0 : i32
    %scan3A_18 = arith.constant 0 : i32
    %scan3A_19 = arith.constant 79 : i32
    %scan3A_20 = arith.addi %scan3A_18, %scan3A_19 : i32
    %scan3A_21 = arith.constant 1 : i32
    scf.for %scan3A_30 = %scan3A_18 to %scan3A_20 step %scan3A_21  : i32 {
      %mul3A_31 = arith.constant 128 : i32
      %mul3A_32 = arith.muli %scan3A_30, %mul3A_31 : i32
      %add3A_33 = arith.addi %mul3A_16, %mul3A_32 : i32
      "tpu.region"() ({
        %run_scoped3A = tpu.sem_alloc : memref<!tpu.dma_semaphore, #tpu.memory_space<semaphore_mem>>
        %dma_start3A_38 = tpu.memref_slice %arg2[%add3A_33] : memref<323584xi32, #tpu.memory_space<hbm>> -> memref<128xi32, #tpu.memory_space<hbm>>
        %dma_start3A_39 = tpu.memref_slice %arg2[%add3A_33] : memref<323584xi32, #tpu.memory_space<hbm>> -> memref<128xi32, #tpu.memory_space<hbm>>
        tpu.enqueue_dma source(%dma_start3A_39 : memref<128xi32, #tpu.memory_space<hbm>>) target(%arg6 : memref<128xi32, #tpu.memory_space<vmem>>) target_semaphore(%run_scoped3A : memref<!tpu.dma_semaphore, #tpu.memory_space<semaphore_mem>>)
        %dma_wait3A_40 = tpu.memref_slice %arg2[%add3A_33] : memref<323584xi32, #tpu.memory_space<hbm>> -> memref<128xi32, #tpu.memory_space<hbm>>
        %dma_wait3A_41 = tpu.memref_slice %arg2[%add3A_33] : memref<323584xi32, #tpu.memory_space<hbm>> -> memref<128xi32, #tpu.memory_space<hbm>>
        tpu.wait_dma2 semaphore(%run_scoped3A : memref<!tpu.dma_semaphore, #tpu.memory_space<semaphore_mem>>) src(%dma_wait3A_41 : memref<128xi32, #tpu.memory_space<hbm>>) dst(%arg6 : memref<128xi32, #tpu.memory_space<vmem>>)
        tpu.yield
      }) : () -> ()
      "tpu.region"() ({
        %run_scoped3A = tpu.sem_alloc : memref<!tpu.dma_semaphore, #tpu.memory_space<semaphore_mem>>
        %dma_start3A_38 = tpu.memref_slice %arg3[%add3A_33] : memref<323584xi32, #tpu.memory_space<hbm>> -> memref<128xi32, #tpu.memory_space<hbm>>
        %dma_start3A_39 = tpu.memref_slice %arg3[%add3A_33] : memref<323584xi32, #tpu.memory_space<hbm>> -> memref<128xi32, #tpu.memory_space<hbm>>
        tpu.enqueue_dma source(%dma_start3A_39 : memref<128xi32, #tpu.memory_space<hbm>>) target(%arg7 : memref<128xi32, #tpu.memory_space<vmem>>) target_semaphore(%run_scoped3A : memref<!tpu.dma_semaphore, #tpu.memory_space<semaphore_mem>>)
        %dma_wait3A_40 = tpu.memref_slice %arg3[%add3A_33] : memref<323584xi32, #tpu.memory_space<hbm>> -> memref<128xi32, #tpu.memory_space<hbm>>
        %dma_wait3A_41 = tpu.memref_slice %arg3[%add3A_33] : memref<323584xi32, #tpu.memory_space<hbm>> -> memref<128xi32, #tpu.memory_space<hbm>>
        tpu.wait_dma2 semaphore(%run_scoped3A : memref<!tpu.dma_semaphore, #tpu.memory_space<semaphore_mem>>) src(%dma_wait3A_41 : memref<128xi32, #tpu.memory_space<hbm>>) dst(%arg7 : memref<128xi32, #tpu.memory_space<vmem>>)
        tpu.yield
      }) : () -> ()
      %dma_start3A = arith.constant 0 : i32
      %dma_start3A_34 = arith.constant 0 : i32
      %dma_start3A_35 = tpu.memref_slice %arg4[%dma_start3A, %dma_start3A_34] : memref<10000x64xf32, #tpu.memory_space<hbm>> -> memref<10000x64xf32, #tpu.memory_space<hbm>>
      tpu.enqueue_indirect_dma source(%dma_start3A_35 : memref<10000x64xf32, #tpu.memory_space<hbm>>) target(%arg8 : memref<128x64xf32, #tpu.memory_space<vmem>>) offsets(%arg6 : memref<128xi32, #tpu.memory_space<vmem>>) semaphore(%arg11 : memref<!tpu.dma_semaphore, #tpu.memory_space<semaphore_mem>>)
      %dma_wait3A = arith.constant 0 : i32
      %dma_wait3A_36 = arith.constant 0 : i32
      %dma_wait3A_37 = tpu.memref_slice %arg4[%dma_wait3A, %dma_wait3A_36] : memref<10000x64xf32, #tpu.memory_space<hbm>> -> memref<10000x64xf32, #tpu.memory_space<hbm>>
      tpu.wait_indirect_dma semaphore(%arg11 : memref<!tpu.dma_semaphore, #tpu.memory_space<semaphore_mem>>) src(%dma_wait3A_37 : memref<10000x64xf32, #tpu.memory_space<hbm>>) dst(%arg8 : memref<128x64xf32, #tpu.memory_space<vmem>>)
      "tpu.region"() ({
        %run_scoped3A = tpu.sem_alloc : memref<!tpu.dma_semaphore, #tpu.memory_space<semaphore_mem>>
        %dma_start3A_38 = arith.constant 0 : i32
        %dma_start3A_39 = arith.constant 0 : i32
        %dma_start3A_40 = tpu.memref_slice %arg10[%dma_start3A_38, %dma_start3A_39] : memref<10240x64xf32, #tpu.memory_space<vmem_shared>> -> memref<10240x64xf32, #tpu.memory_space<vmem_shared>>
        tpu.enqueue_indirect_dma source(%arg8 : memref<128x64xf32, #tpu.memory_space<vmem>>) target(%dma_start3A_40 : memref<10240x64xf32, #tpu.memory_space<vmem_shared>>) offsets(%arg7 : memref<128xi32, #tpu.memory_space<vmem>>) semaphore(%run_scoped3A : memref<!tpu.dma_semaphore, #tpu.memory_space<semaphore_mem>>) {add = true}
        %dma_wait3A_41 = arith.constant 0 : i32
        %dma_wait3A_42 = arith.constant 0 : i32
        %dma_wait3A_43 = tpu.memref_slice %arg10[%dma_wait3A_41, %dma_wait3A_42] : memref<10240x64xf32, #tpu.memory_space<vmem_shared>> -> memref<10240x64xf32, #tpu.memory_space<vmem_shared>>
        tpu.wait_indirect_dma semaphore(%run_scoped3A : memref<!tpu.dma_semaphore, #tpu.memory_space<semaphore_mem>>) src(%arg8 : memref<128x64xf32, #tpu.memory_space<vmem>>) dst(%dma_wait3A_43 : memref<10240x64xf32, #tpu.memory_space<vmem_shared>>)
        tpu.yield
      }) : () -> ()
    }
    %scan3A_22 = arith.constant 79 : i32
    %barrier3A_23 = arith.constant 0 : index
    tpu.barrier barrier_id(%barrier3A_23)
    %scan3A_24 = arith.constant 0 : i32
    %scan3A_25 = arith.constant 0 : i32
    %scan3A_26 = arith.constant 10 : i32
    %scan3A_27 = arith.addi %scan3A_25, %scan3A_26 : i32
    %scan3A_28 = arith.constant 1 : i32
    scf.for %scan3A_30 = %scan3A_25 to %scan3A_27 step %scan3A_28  : i32 {
      %mul3A_31 = arith.constant 64 : i32
      %mul3A_32 = arith.muli %scan3A_30, %mul3A_31 : i32
      %add3A_33 = arith.addi %mul3A_8, %mul3A_32 : i32
      "tpu.region"() ({
        %run_scoped3A = tpu.sem_alloc : memref<!tpu.dma_semaphore, #tpu.memory_space<semaphore_mem>>
        %dma_start3A = arith.constant 0 : i32
        %dma_start3A_34 = tpu.memref_slice %arg5[%arg0, %add3A_33, %dma_start3A] : memref<2x10240x64xf32, #tpu.memory_space<hbm>> -> memref<1x64x64xf32, #tpu.memory_space<hbm>>
        %dma_start3A_35 = tpu.memref_squeeze %dma_start3A_34 : memref<1x64x64xf32, #tpu.memory_space<hbm>> -> memref<64x64xf32, #tpu.memory_space<hbm>>
        %dma_start3A_36 = arith.constant 0 : i32
        %dma_start3A_37 = tpu.memref_slice %arg10[%add3A_33, %dma_start3A_36] : memref<10240x64xf32, #tpu.memory_space<vmem_shared>> -> memref<64x64xf32, #tpu.memory_space<vmem_shared>>
        tpu.enqueue_dma source(%dma_start3A_37 : memref<64x64xf32, #tpu.memory_space<vmem_shared>>) target(%dma_start3A_35 : memref<64x64xf32, #tpu.memory_space<hbm>>) target_semaphore(%run_scoped3A : memref<!tpu.dma_semaphore, #tpu.memory_space<semaphore_mem>>)
        %dma_wait3A = arith.constant 0 : i32
        %dma_wait3A_38 = tpu.memref_slice %arg5[%arg0, %add3A_33, %dma_wait3A] : memref<2x10240x64xf32, #tpu.memory_space<hbm>> -> memref<1x64x64xf32, #tpu.memory_space<hbm>>
        %dma_wait3A_39 = tpu.memref_squeeze %dma_wait3A_38 : memref<1x64x64xf32, #tpu.memory_space<hbm>> -> memref<64x64xf32, #tpu.memory_space<hbm>>
        %dma_wait3A_40 = arith.constant 0 : i32
        %dma_wait3A_41 = tpu.memref_slice %arg10[%add3A_33, %dma_wait3A_40] : memref<10240x64xf32, #tpu.memory_space<vmem_shared>> -> memref<64x64xf32, #tpu.memory_space<vmem_shared>>
        tpu.wait_dma2 semaphore(%run_scoped3A : memref<!tpu.dma_semaphore, #tpu.memory_space<semaphore_mem>>) src(%dma_wait3A_41 : memref<64x64xf32, #tpu.memory_space<vmem_shared>>) dst(%dma_wait3A_39 : memref<64x64xf32, #tpu.memory_space<hbm>>)
        tpu.yield
      }) : () -> ()
    }
    %scan3A_29 = arith.constant 10 : i32
    return
  }
}

#map = affine_map<(d0, d1) -> (0)>
#map1 = affine_map<(d0, d1) -> (0, 0)>
#map2 = affine_map<(d0, d1) -> (0, 0, 0)>
module attributes {stable_mosaic.version = 14 : i64} {
  func.func @body(%arg0: i32, %arg1: i32, %arg2: memref<323584xi32, #tpu.memory_space<hbm>>, %arg3: memref<323584xi32, #tpu.memory_space<hbm>>, %arg4: memref<10000x128xf32, #tpu.memory_space<hbm>>, %arg5: memref<2x10240x128xf32, #tpu.memory_space<hbm>>, %arg6: memref<128xi32, #tpu.memory_space<vmem>>, %arg7: memref<128xi32, #tpu.memory_space<vmem>>, %arg8: memref<128x128xf32, #tpu.memory_space<vmem>>, %arg9: memref<32x128xf32, #tpu.memory_space<vmem>>, %arg10: memref<10240x128xf32, #tpu.memory_space<vmem_shared>>, %arg11: memref<!tpu.dma_semaphore, #tpu.memory_space<semaphore_mem>>) attributes {dimension_semantics = [#tpu.dimension_semantics<core_parallel>, #tpu.dimension_semantics<subcore_parallel>], iteration_bounds = array<i64: 2, 16>, scalar_prefetch = 0 : i64, scratch_operands = 6 : i64, tpu.core_type = #tpu.core_type<sc_vector_subcore>, window_params = [{transform_indices = #map}, {transform_indices = #map}, {transform_indices = #map1}, {transform_indices = #map2}]} {
    %mul3A = arith.constant 16 : i32
    %mul3A_0 = arith.muli %arg0, %mul3A : i32
    %add3A = arith.addi %mul3A_0, %arg1 : i32
    %broadcast_in_dim3A = arith.constant 0.000000e+00 : f32
    %broadcast_in_dim3A_1 = vector.broadcast %broadcast_in_dim3A : f32 to vector<16xf32>
    %scan3A = arith.constant 0 : i32
    %scan3A_2 = arith.constant 0 : i32
    %scan3A_3 = arith.constant 32 : i32
    %scan3A_4 = arith.addi %scan3A_2, %scan3A_3 : i32
    %scan3A_5 = arith.constant 1 : i32
    scf.for %scan3A_30 = %scan3A_2 to %scan3A_4 step %scan3A_5  : i32 {
      %swap3A = arith.index_cast %scan3A_30 : i32 to index
      %swap3A_31 = arith.constant 0 : index
      %swap3A_32 = tpu.vector_load %arg9[%swap3A, %swap3A_31] {strides = array<i32>} : memref<32x128xf32, #tpu.memory_space<vmem>>, vector<1x16xf32>,
      %swap3A_33 = vector.shape_cast %swap3A_32 : vector<1x16xf32> to vector<16xf32>
      %swap3A_34 = vector.shape_cast %broadcast_in_dim3A_1 : vector<16xf32> to vector<1x16xf32>
      tpu.vector_store %arg9[%swap3A, %swap3A_31], %swap3A_34 {strides = array<i32>} : memref<32x128xf32, #tpu.memory_space<vmem>>, vector<1x16xf32>,
      %swap3A_35 = arith.index_cast %scan3A_30 : i32 to index
      %swap3A_36 = arith.constant 16 : index
      %swap3A_37 = tpu.vector_load %arg9[%swap3A_35, %swap3A_36] {strides = array<i32>} : memref<32x128xf32, #tpu.memory_space<vmem>>, vector<1x16xf32>,
      %swap3A_38 = vector.shape_cast %swap3A_37 : vector<1x16xf32> to vector<16xf32>
      %swap3A_39 = vector.shape_cast %broadcast_in_dim3A_1 : vector<16xf32> to vector<1x16xf32>
      tpu.vector_store %arg9[%swap3A_35, %swap3A_36], %swap3A_39 {strides = array<i32>} : memref<32x128xf32, #tpu.memory_space<vmem>>, vector<1x16xf32>,
      %swap3A_40 = arith.index_cast %scan3A_30 : i32 to index
      %swap3A_41 = arith.constant 32 : index
      %swap3A_42 = tpu.vector_load %arg9[%swap3A_40, %swap3A_41] {strides = array<i32>} : memref<32x128xf32, #tpu.memory_space<vmem>>, vector<1x16xf32>,
      %swap3A_43 = vector.shape_cast %swap3A_42 : vector<1x16xf32> to vector<16xf32>
      %swap3A_44 = vector.shape_cast %broadcast_in_dim3A_1 : vector<16xf32> to vector<1x16xf32>
      tpu.vector_store %arg9[%swap3A_40, %swap3A_41], %swap3A_44 {strides = array<i32>} : memref<32x128xf32, #tpu.memory_space<vmem>>, vector<1x16xf32>,
      %swap3A_45 = arith.index_cast %scan3A_30 : i32 to index
      %swap3A_46 = arith.constant 48 : index
      %swap3A_47 = tpu.vector_load %arg9[%swap3A_45, %swap3A_46] {strides = array<i32>} : memref<32x128xf32, #tpu.memory_space<vmem>>, vector<1x16xf32>,
      %swap3A_48 = vector.shape_cast %swap3A_47 : vector<1x16xf32> to vector<16xf32>
      %swap3A_49 = vector.shape_cast %broadcast_in_dim3A_1 : vector<16xf32> to vector<1x16xf32>
      tpu.vector_store %arg9[%swap3A_45, %swap3A_46], %swap3A_49 {strides = array<i32>} : memref<32x128xf32, #tpu.memory_space<vmem>>, vector<1x16xf32>,
      %swap3A_50 = arith.index_cast %scan3A_30 : i32 to index
      %swap3A_51 = arith.constant 64 : index
      %swap3A_52 = tpu.vector_load %arg9[%swap3A_50, %swap3A_51] {strides = array<i32>} : memref<32x128xf32, #tpu.memory_space<vmem>>, vector<1x16xf32>,
      %swap3A_53 = vector.shape_cast %swap3A_52 : vector<1x16xf32> to vector<16xf32>
      %swap3A_54 = vector.shape_cast %broadcast_in_dim3A_1 : vector<16xf32> to vector<1x16xf32>
      tpu.vector_store %arg9[%swap3A_50, %swap3A_51], %swap3A_54 {strides = array<i32>} : memref<32x128xf32, #tpu.memory_space<vmem>>, vector<1x16xf32>,
      %swap3A_55 = arith.index_cast %scan3A_30 : i32 to index
      %swap3A_56 = arith.constant 80 : index
      %swap3A_57 = tpu.vector_load %arg9[%swap3A_55, %swap3A_56] {strides = array<i32>} : memref<32x128xf32, #tpu.memory_space<vmem>>, vector<1x16xf32>,
      %swap3A_58 = vector.shape_cast %swap3A_57 : vector<1x16xf32> to vector<16xf32>
      %swap3A_59 = vector.shape_cast %broadcast_in_dim3A_1 : vector<16xf32> to vector<1x16xf32>
      tpu.vector_store %arg9[%swap3A_55, %swap3A_56], %swap3A_59 {strides = array<i32>} : memref<32x128xf32, #tpu.memory_space<vmem>>, vector<1x16xf32>,
      %swap3A_60 = arith.index_cast %scan3A_30 : i32 to index
      %swap3A_61 = arith.constant 96 : index
      %swap3A_62 = tpu.vector_load %arg9[%swap3A_60, %swap3A_61] {strides = array<i32>} : memref<32x128xf32, #tpu.memory_space<vmem>>, vector<1x16xf32>,
      %swap3A_63 = vector.shape_cast %swap3A_62 : vector<1x16xf32> to vector<16xf32>
      %swap3A_64 = vector.shape_cast %broadcast_in_dim3A_1 : vector<16xf32> to vector<1x16xf32>
      tpu.vector_store %arg9[%swap3A_60, %swap3A_61], %swap3A_64 {strides = array<i32>} : memref<32x128xf32, #tpu.memory_space<vmem>>, vector<1x16xf32>,
      %swap3A_65 = arith.index_cast %scan3A_30 : i32 to index
      %swap3A_66 = arith.constant 112 : index
      %swap3A_67 = tpu.vector_load %arg9[%swap3A_65, %swap3A_66] {strides = array<i32>} : memref<32x128xf32, #tpu.memory_space<vmem>>, vector<1x16xf32>,
      %swap3A_68 = vector.shape_cast %swap3A_67 : vector<1x16xf32> to vector<16xf32>
      %swap3A_69 = vector.shape_cast %broadcast_in_dim3A_1 : vector<16xf32> to vector<1x16xf32>
      tpu.vector_store %arg9[%swap3A_65, %swap3A_66], %swap3A_69 {strides = array<i32>} : memref<32x128xf32, #tpu.memory_space<vmem>>, vector<1x16xf32>,
    }
    %scan3A_6 = arith.constant 32 : i32
    %mul3A_7 = arith.constant 640 : i32
    %mul3A_8 = arith.muli %arg1, %mul3A_7 : i32
    %scan3A_9 = arith.constant 0 : i32
    %scan3A_10 = arith.constant 0 : i32
    %scan3A_11 = arith.constant 20 : i32
    %scan3A_12 = arith.addi %scan3A_10, %scan3A_11 : i32
    %scan3A_13 = arith.constant 1 : i32
    scf.for %scan3A_30 = %scan3A_10 to %scan3A_12 step %scan3A_13  : i32 {
      %mul3A_31 = arith.constant 32 : i32
      %mul3A_32 = arith.muli %scan3A_30, %mul3A_31 : i32
      %add3A_33 = arith.addi %mul3A_8, %mul3A_32 : i32
      "tpu.region"() ({
        %run_scoped3A = tpu.sem_alloc : memref<!tpu.dma_semaphore, #tpu.memory_space<semaphore_mem>>
        %dma_start3A = arith.constant 0 : i32
        %dma_start3A_34 = tpu.memref_slice %arg10[%add3A_33, %dma_start3A] : memref<10240x128xf32, #tpu.memory_space<vmem_shared>> -> memref<32x128xf32, #tpu.memory_space<vmem_shared>>
        %dma_start3A_35 = arith.constant 0 : i32
        %dma_start3A_36 = tpu.memref_slice %arg10[%add3A_33, %dma_start3A_35] : memref<10240x128xf32, #tpu.memory_space<vmem_shared>> -> memref<32x128xf32, #tpu.memory_space<vmem_shared>>
        tpu.enqueue_dma source(%arg9 : memref<32x128xf32, #tpu.memory_space<vmem>>) target(%dma_start3A_36 : memref<32x128xf32, #tpu.memory_space<vmem_shared>>) target_semaphore(%run_scoped3A : memref<!tpu.dma_semaphore, #tpu.memory_space<semaphore_mem>>)
        %dma_wait3A = arith.constant 0 : i32
        %dma_wait3A_37 = tpu.memref_slice %arg10[%add3A_33, %dma_wait3A] : memref<10240x128xf32, #tpu.memory_space<vmem_shared>> -> memref<32x128xf32, #tpu.memory_space<vmem_shared>>
        %dma_wait3A_38 = arith.constant 0 : i32
        %dma_wait3A_39 = tpu.memref_slice %arg10[%add3A_33, %dma_wait3A_38] : memref<10240x128xf32, #tpu.memory_space<vmem_shared>> -> memref<32x128xf32, #tpu.memory_space<vmem_shared>>
        tpu.wait_dma2 semaphore(%run_scoped3A : memref<!tpu.dma_semaphore, #tpu.memory_space<semaphore_mem>>) src(%arg9 : memref<32x128xf32, #tpu.memory_space<vmem>>) dst(%dma_wait3A_39 : memref<32x128xf32, #tpu.memory_space<vmem_shared>>)
        tpu.yield
      }) : () -> ()
    }
    %scan3A_14 = arith.constant 20 : i32
    %barrier3A = arith.constant 0 : index
    tpu.barrier barrier_id(%barrier3A)
    %mul3A_15 = arith.constant 10112 : i32
    %mul3A_16 = arith.muli %add3A, %mul3A_15 : i32
    %scan3A_17 = arith.constant 0 : i32
    %scan3A_18 = arith.constant 0 : i32
    %scan3A_19 = arith.constant 79 : i32
    %scan3A_20 = arith.addi %scan3A_18, %scan3A_19 : i32
    %scan3A_21 = arith.constant 1 : i32
    scf.for %scan3A_30 = %scan3A_18 to %scan3A_20 step %scan3A_21  : i32 {
      %mul3A_31 = arith.constant 128 : i32
      %mul3A_32 = arith.muli %scan3A_30, %mul3A_31 : i32
      %add3A_33 = arith.addi %mul3A_16, %mul3A_32 : i32
      "tpu.region"() ({
        %run_scoped3A = tpu.sem_alloc : memref<!tpu.dma_semaphore, #tpu.memory_space<semaphore_mem>>
        %dma_start3A_38 = tpu.memref_slice %arg2[%add3A_33] : memref<323584xi32, #tpu.memory_space<hbm>> -> memref<128xi32, #tpu.memory_space<hbm>>
        %dma_start3A_39 = tpu.memref_slice %arg2[%add3A_33] : memref<323584xi32, #tpu.memory_space<hbm>> -> memref<128xi32, #tpu.memory_space<hbm>>
        tpu.enqueue_dma source(%dma_start3A_39 : memref<128xi32, #tpu.memory_space<hbm>>) target(%arg6 : memref<128xi32, #tpu.memory_space<vmem>>) target_semaphore(%run_scoped3A : memref<!tpu.dma_semaphore, #tpu.memory_space<semaphore_mem>>)
        %dma_wait3A_40 = tpu.memref_slice %arg2[%add3A_33] : memref<323584xi32, #tpu.memory_space<hbm>> -> memref<128xi32, #tpu.memory_space<hbm>>
        %dma_wait3A_41 = tpu.memref_slice %arg2[%add3A_33] : memref<323584xi32, #tpu.memory_space<hbm>> -> memref<128xi32, #tpu.memory_space<hbm>>
        tpu.wait_dma2 semaphore(%run_scoped3A : memref<!tpu.dma_semaphore, #tpu.memory_space<semaphore_mem>>) src(%dma_wait3A_41 : memref<128xi32, #tpu.memory_space<hbm>>) dst(%arg6 : memref<128xi32, #tpu.memory_space<vmem>>)
        tpu.yield
      }) : () -> ()
      "tpu.region"() ({
        %run_scoped3A = tpu.sem_alloc : memref<!tpu.dma_semaphore, #tpu.memory_space<semaphore_mem>>
        %dma_start3A_38 = tpu.memref_slice %arg3[%add3A_33] : memref<323584xi32, #tpu.memory_space<hbm>> -> memref<128xi32, #tpu.memory_space<hbm>>
        %dma_start3A_39 = tpu.memref_slice %arg3[%add3A_33] : memref<323584xi32, #tpu.memory_space<hbm>> -> memref<128xi32, #tpu.memory_space<hbm>>
        tpu.enqueue_dma source(%dma_start3A_39 : memref<128xi32, #tpu.memory_space<hbm>>) target(%arg7 : memref<128xi32, #tpu.memory_space<vmem>>) target_semaphore(%run_scoped3A : memref<!tpu.dma_semaphore, #tpu.memory_space<semaphore_mem>>)
        %dma_wait3A_40 = tpu.memref_slice %arg3[%add3A_33] : memref<323584xi32, #tpu.memory_space<hbm>> -> memref<128xi32, #tpu.memory_space<hbm>>
        %dma_wait3A_41 = tpu.memref_slice %arg3[%add3A_33] : memref<323584xi32, #tpu.memory_space<hbm>> -> memref<128xi32, #tpu.memory_space<hbm>>
        tpu.wait_dma2 semaphore(%run_scoped3A : memref<!tpu.dma_semaphore, #tpu.memory_space<semaphore_mem>>) src(%dma_wait3A_41 : memref<128xi32, #tpu.memory_space<hbm>>) dst(%arg7 : memref<128xi32, #tpu.memory_space<vmem>>)
        tpu.yield
      }) : () -> ()
      %dma_start3A = arith.constant 0 : i32
      %dma_start3A_34 = arith.constant 0 : i32
      %dma_start3A_35 = tpu.memref_slice %arg4[%dma_start3A, %dma_start3A_34] : memref<10000x128xf32, #tpu.memory_space<hbm>> -> memref<10000x128xf32, #tpu.memory_space<hbm>>
      tpu.enqueue_indirect_dma source(%dma_start3A_35 : memref<10000x128xf32, #tpu.memory_space<hbm>>) target(%arg8 : memref<128x128xf32, #tpu.memory_space<vmem>>) offsets(%arg6 : memref<128xi32, #tpu.memory_space<vmem>>) semaphore(%arg11 : memref<!tpu.dma_semaphore, #tpu.memory_space<semaphore_mem>>)
      %dma_wait3A = arith.constant 0 : i32
      %dma_wait3A_36 = arith.constant 0 : i32
      %dma_wait3A_37 = tpu.memref_slice %arg4[%dma_wait3A, %dma_wait3A_36] : memref<10000x128xf32, #tpu.memory_space<hbm>> -> memref<10000x128xf32, #tpu.memory_space<hbm>>
      tpu.wait_indirect_dma semaphore(%arg11 : memref<!tpu.dma_semaphore, #tpu.memory_space<semaphore_mem>>) src(%dma_wait3A_37 : memref<10000x128xf32, #tpu.memory_space<hbm>>) dst(%arg8 : memref<128x128xf32, #tpu.memory_space<vmem>>)
      "tpu.region"() ({
        %run_scoped3A = tpu.sem_alloc : memref<!tpu.dma_semaphore, #tpu.memory_space<semaphore_mem>>
        %dma_start3A_38 = arith.constant 0 : i32
        %dma_start3A_39 = arith.constant 0 : i32
        %dma_start3A_40 = tpu.memref_slice %arg10[%dma_start3A_38, %dma_start3A_39] : memref<10240x128xf32, #tpu.memory_space<vmem_shared>> -> memref<10240x128xf32, #tpu.memory_space<vmem_shared>>
        tpu.enqueue_indirect_dma source(%arg8 : memref<128x128xf32, #tpu.memory_space<vmem>>) target(%dma_start3A_40 : memref<10240x128xf32, #tpu.memory_space<vmem_shared>>) offsets(%arg7 : memref<128xi32, #tpu.memory_space<vmem>>) semaphore(%run_scoped3A : memref<!tpu.dma_semaphore, #tpu.memory_space<semaphore_mem>>) {add = true}
        %dma_wait3A_41 = arith.constant 0 : i32
        %dma_wait3A_42 = arith.constant 0 : i32
        %dma_wait3A_43 = tpu.memref_slice %arg10[%dma_wait3A_41, %dma_wait3A_42] : memref<10240x128xf32, #tpu.memory_space<vmem_shared>> -> memref<10240x128xf32, #tpu.memory_space<vmem_shared>>
        tpu.wait_indirect_dma semaphore(%run_scoped3A : memref<!tpu.dma_semaphore, #tpu.memory_space<semaphore_mem>>) src(%arg8 : memref<128x128xf32, #tpu.memory_space<vmem>>) dst(%dma_wait3A_43 : memref<10240x128xf32, #tpu.memory_space<vmem_shared>>)
        tpu.yield
      }) : () -> ()
    }
    %scan3A_22 = arith.constant 79 : i32
    %barrier3A_23 = arith.constant 0 : index
    tpu.barrier barrier_id(%barrier3A_23)
    %scan3A_24 = arith.constant 0 : i32
    %scan3A_25 = arith.constant 0 : i32
    %scan3A_26 = arith.constant 20 : i32
    %scan3A_27 = arith.addi %scan3A_25, %scan3A_26 : i32
    %scan3A_28 = arith.constant 1 : i32
    scf.for %scan3A_30 = %scan3A_25 to %scan3A_27 step %scan3A_28  : i32 {
      %mul3A_31 = arith.constant 32 : i32
      %mul3A_32 = arith.muli %scan3A_30, %mul3A_31 : i32
      %add3A_33 = arith.addi %mul3A_8, %mul3A_32 : i32
      "tpu.region"() ({
        %run_scoped3A = tpu.sem_alloc : memref<!tpu.dma_semaphore, #tpu.memory_space<semaphore_mem>>
        %dma_start3A = arith.constant 0 : i32
        %dma_start3A_34 = tpu.memref_slice %arg5[%arg0, %add3A_33, %dma_start3A] : memref<2x10240x128xf32, #tpu.memory_space<hbm>> -> memref<1x32x128xf32, #tpu.memory_space<hbm>>
        %dma_start3A_35 = tpu.memref_squeeze %dma_start3A_34 : memref<1x32x128xf32, #tpu.memory_space<hbm>> -> memref<32x128xf32, #tpu.memory_space<hbm>>
        %dma_start3A_36 = arith.constant 0 : i32
        %dma_start3A_37 = tpu.memref_slice %arg10[%add3A_33, %dma_start3A_36] : memref<10240x128xf32, #tpu.memory_space<vmem_shared>> -> memref<32x128xf32, #tpu.memory_space<vmem_shared>>
        tpu.enqueue_dma source(%dma_start3A_37 : memref<32x128xf32, #tpu.memory_space<vmem_shared>>) target(%dma_start3A_35 : memref<32x128xf32, #tpu.memory_space<hbm>>) target_semaphore(%run_scoped3A : memref<!tpu.dma_semaphore, #tpu.memory_space<semaphore_mem>>)
        %dma_wait3A = arith.constant 0 : i32
        %dma_wait3A_38 = tpu.memref_slice %arg5[%arg0, %add3A_33, %dma_wait3A] : memref<2x10240x128xf32, #tpu.memory_space<hbm>> -> memref<1x32x128xf32, #tpu.memory_space<hbm>>
        %dma_wait3A_39 = tpu.memref_squeeze %dma_wait3A_38 : memref<1x32x128xf32, #tpu.memory_space<hbm>> -> memref<32x128xf32, #tpu.memory_space<hbm>>
        %dma_wait3A_40 = arith.constant 0 : i32
        %dma_wait3A_41 = tpu.memref_slice %arg10[%add3A_33, %dma_wait3A_40] : memref<10240x128xf32, #tpu.memory_space<vmem_shared>> -> memref<32x128xf32, #tpu.memory_space<vmem_shared>>
        tpu.wait_dma2 semaphore(%run_scoped3A : memref<!tpu.dma_semaphore, #tpu.memory_space<semaphore_mem>>) src(%dma_wait3A_41 : memref<32x128xf32, #tpu.memory_space<vmem_shared>>) dst(%dma_wait3A_39 : memref<32x128xf32, #tpu.memory_space<hbm>>)
        tpu.yield
      }) : () -> ()
    }
    %scan3A_29 = arith.constant 20 : i32
    return
  }
}

module attributes {stable_mosaic.version = 14 : i64} {
  func.func @body(%arg0: i32, %arg1: memref<2000x128xf32, #tpu.memory_space<vmem>>, %arg2: memref<64x128xf32, #tpu.memory_space<vmem>>, %arg3: memref<64x128xf32, #tpu.memory_space<vmem>>, %arg4: memref<2000x64xf32, #tpu.memory_space<vmem>>, %arg5: memref<2000x64xf32, #tpu.memory_space<vmem>>) attributes {dimension_semantics = [#tpu.dimension_semantics<arbitrary>], iteration_bounds = array<i64: 5>, scalar_prefetch = 0 : i64, scratch_operands = 0 : i64, tpu.core_type = #tpu.core_type<tc>, window_params = [{transform_indices = @transform_0, window_bounds = array<i64: 2000, 128>}, {pipeline_mode = #tpu.pipeline_mode<synchronous>, transform_indices = @transform_1, window_bounds = array<i64: 64, 128>}, {pipeline_mode = #tpu.pipeline_mode<synchronous>, transform_indices = @transform_2, window_bounds = array<i64: 64, 128>}, {transform_indices = @transform_3, window_bounds = array<i64: 2000, 64>}, {transform_indices = @transform_4, window_bounds = array<i64: 2000, 64>}]} {
    %get3A = arith.constant 0 : index
    %get3A_0 = arith.constant 0 : index
    %get3A_1 = vector.load %arg1[%get3A, %get3A_0] : memref<2000x128xf32, #tpu.memory_space<vmem>>, vector<2000x128xf32>
    %get3A_2 = arith.constant 0 : index
    %get3A_3 = arith.constant 0 : index
    %get3A_4 = vector.load %arg2[%get3A_2, %get3A_3] : memref<64x128xf32, #tpu.memory_space<vmem>>, vector<64x128xf32>
    %dot_general3A = arith.constant dense<0.000000e+00> : vector<2000x64xf32>
    %dot_general3A_5 = tpu.matmul %get3A_1, %get3A_4, %dot_general3A {dimension_numbers = #tpu.dot_dimension_numbers<[1], [1], [0], [0], [0, 0, 1, 0], [], []>, transpose_lhs_hint = false} : vector<2000x128xf32>, vector<64x128xf32>, vector<2000x64xf32> -> vector<2000x64xf32>
    %swap3A = arith.constant 0 : index
    %swap3A_6 = arith.constant 0 : index
    %swap3A_7 = vector.load %arg4[%swap3A, %swap3A_6] : memref<2000x64xf32, #tpu.memory_space<vmem>>, vector<2000x64xf32>
    tpu.vector_store %arg4[%swap3A, %swap3A_6], %dot_general3A_5 {strides = array<i32>} : memref<2000x64xf32, #tpu.memory_space<vmem>>, vector<2000x64xf32>,
    %get3A_8 = arith.constant 0 : index
    %get3A_9 = arith.constant 0 : index
    %get3A_10 = vector.load %arg3[%get3A_8, %get3A_9] : memref<64x128xf32, #tpu.memory_space<vmem>>, vector<64x128xf32>
    %dot_general3A_11 = arith.constant dense<0.000000e+00> : vector<2000x64xf32>
    %dot_general3A_12 = tpu.matmul %get3A_1, %get3A_10, %dot_general3A_11 {dimension_numbers = #tpu.dot_dimension_numbers<[1], [1], [0], [0], [0, 0, 1, 0], [], []>, transpose_lhs_hint = false} : vector<2000x128xf32>, vector<64x128xf32>, vector<2000x64xf32> -> vector<2000x64xf32>
    %swap3A_13 = arith.constant 0 : index
    %swap3A_14 = arith.constant 0 : index
    %swap3A_15 = vector.load %arg5[%swap3A_13, %swap3A_14] : memref<2000x64xf32, #tpu.memory_space<vmem>>, vector<2000x64xf32>
    tpu.vector_store %arg5[%swap3A_13, %swap3A_14], %dot_general3A_12 {strides = array<i32>} : memref<2000x64xf32, #tpu.memory_space<vmem>>, vector<2000x64xf32>,
    return
  }
  func.func @transform_0(%arg0: i32) -> (i32, i32) {
    %c0_i32 = arith.constant 0 : i32
    %c0_i32_0 = arith.constant 0 : i32
    return %arg0, %c0_i32 : i32, i32
  }
  func.func @transform_1(%arg0: i32) -> (i32, i32) {
    %c0_i32 = arith.constant 0 : i32
    %c0_i32_0 = arith.constant 0 : i32
    %c0_i32_1 = arith.constant 0 : i32
    return %c0_i32, %c0_i32_0 : i32, i32
  }
  func.func @transform_2(%arg0: i32) -> (i32, i32) {
    %c0_i32 = arith.constant 0 : i32
    %c0_i32_0 = arith.constant 0 : i32
    %c0_i32_1 = arith.constant 0 : i32
    return %c0_i32, %c0_i32_0 : i32, i32
  }
  func.func @transform_3(%arg0: i32) -> (i32, i32) {
    %c0_i32 = arith.constant 0 : i32
    %c0_i32_0 = arith.constant 0 : i32
    return %arg0, %c0_i32 : i32, i32
  }
  func.func @transform_4(%arg0: i32) -> (i32, i32) {
    %c0_i32 = arith.constant 0 : i32
    %c0_i32_0 = arith.constant 0 : i32
    return %arg0, %c0_i32 : i32, i32
  }
}

module attributes {stable_mosaic.version = 14 : i64} {
  func.func @body(%arg0: i32, %arg1: memref<2000x64xf32, #tpu.memory_space<vmem>>, %arg2: memref<2000x64xf32, #tpu.memory_space<vmem>>, %arg3: memref<2000x1xf32, #tpu.memory_space<vmem>>, %arg4: memref<2000x1xf32, #tpu.memory_space<vmem>>, %arg5: memref<2000x64xf32, #tpu.memory_space<vmem>>, %arg6: memref<2000x64xf32, #tpu.memory_space<vmem>>, %arg7: memref<1x64xf32, #tpu.memory_space<vmem>>, %arg8: memref<2000x64xf32, #tpu.memory_space<vmem>>) attributes {dimension_semantics = [#tpu.dimension_semantics<arbitrary>], iteration_bounds = array<i64: 5>, scalar_prefetch = 0 : i64, scratch_operands = 0 : i64, tpu.core_type = #tpu.core_type<tc>, window_params = [{transform_indices = @transform_0, window_bounds = array<i64: 2000, 64>}, {transform_indices = @transform_1, window_bounds = array<i64: 2000, 64>}, {transform_indices = @transform_2, window_bounds = array<i64: 2000, 1>}, {transform_indices = @transform_3, window_bounds = array<i64: 2000, 1>}, {transform_indices = @transform_4, window_bounds = array<i64: 2000, 64>}, {transform_indices = @transform_5, window_bounds = array<i64: 2000, 64>}, {pipeline_mode = #tpu.pipeline_mode<synchronous>, transform_indices = @transform_6, window_bounds = array<i64: 1, 64>}, {transform_indices = @transform_7, window_bounds = array<i64: 2000, 64>}]} {
    %get3A = arith.constant 0 : index
    %get3A_0 = arith.constant 0 : index
    %get3A_1 = vector.load %arg3[%get3A, %get3A_0] : memref<2000x1xf32, #tpu.memory_space<vmem>>, vector<2000x1xf32>
    %add3A = arith.constant 1.000000e+00 : f32
    %add3A_2 = vector.broadcast %add3A : f32 to vector<2000x1xf32>
    %add3A_3 = arith.addf %add3A_2, %get3A_1 : vector<2000x1xf32>
    %get3A_4 = arith.constant 0 : index
    %get3A_5 = arith.constant 0 : index
    %get3A_6 = vector.load %arg4[%get3A_4, %get3A_5] : memref<2000x1xf32, #tpu.memory_space<vmem>>, vector<2000x1xf32>
    %add3A_7 = arith.addf %add3A_3, %get3A_6 : vector<2000x1xf32>
    %div3A = arith.constant 1.000000e+00 : f32
    %div3A_8 = vector.broadcast %div3A : f32 to vector<2000x1xf32>
    %div3A_9 = arith.divf %div3A_8, %add3A_7 : vector<2000x1xf32>
    %get3A_10 = arith.constant 0 : index
    %get3A_11 = arith.constant 0 : index
    %get3A_12 = vector.load %arg1[%get3A_10, %get3A_11] : memref<2000x64xf32, #tpu.memory_space<vmem>>, vector<2000x64xf32>
    %get3A_13 = arith.constant 0 : index
    %get3A_14 = arith.constant 0 : index
    %get3A_15 = vector.load %arg2[%get3A_13, %get3A_14] : memref<2000x64xf32, #tpu.memory_space<vmem>>, vector<2000x64xf32>
    %add3A_16 = arith.addf %get3A_12, %get3A_15 : vector<2000x64xf32>
    %get3A_17 = arith.constant 0 : index
    %get3A_18 = arith.constant 0 : index
    %get3A_19 = vector.load %arg5[%get3A_17, %get3A_18] : memref<2000x64xf32, #tpu.memory_space<vmem>>, vector<2000x64xf32>
    %add3A_20 = arith.addf %add3A_16, %get3A_19 : vector<2000x64xf32>
    %mul3A = vector.broadcast %div3A_9 : vector<2000x1xf32> to vector<2000x64xf32>
    %mul3A_21 = arith.mulf %mul3A, %add3A_20 : vector<2000x64xf32>
    %get3A_22 = arith.constant 0 : index
    %get3A_23 = arith.constant 0 : index
    %get3A_24 = vector.load %arg6[%get3A_22, %get3A_23] : memref<2000x64xf32, #tpu.memory_space<vmem>>, vector<2000x64xf32>
    %add3A_25 = arith.addf %mul3A_21, %get3A_24 : vector<2000x64xf32>
    %get3A_26 = arith.constant 0 : index
    %get3A_27 = arith.constant 0 : index
    %get3A_28 = vector.load %arg7[%get3A_26, %get3A_27] : memref<1x64xf32, #tpu.memory_space<vmem>>, vector<1x64xf32>
    %add3A_29 = vector.broadcast %get3A_28 : vector<1x64xf32> to vector<2000x64xf32>
    %add3A_30 = arith.addf %add3A_25, %add3A_29 : vector<2000x64xf32>
    %max3A = arith.constant 0.000000e+00 : f32
    %max3A_31 = vector.broadcast %max3A : f32 to vector<2000x64xf32>
    %max3A_32 = arith.maximumf %add3A_30, %max3A_31 : vector<2000x64xf32>
    %swap3A = arith.constant 0 : index
    %swap3A_33 = arith.constant 0 : index
    %swap3A_34 = vector.load %arg8[%swap3A, %swap3A_33] : memref<2000x64xf32, #tpu.memory_space<vmem>>, vector<2000x64xf32>
    tpu.vector_store %arg8[%swap3A, %swap3A_33], %max3A_32 {strides = array<i32>} : memref<2000x64xf32, #tpu.memory_space<vmem>>, vector<2000x64xf32>,
    return
  }
  func.func @transform_0(%arg0: i32) -> (i32, i32) {
    %c0_i32 = arith.constant 0 : i32
    %c0_i32_0 = arith.constant 0 : i32
    return %arg0, %c0_i32 : i32, i32
  }
  func.func @transform_1(%arg0: i32) -> (i32, i32) {
    %c0_i32 = arith.constant 0 : i32
    %c0_i32_0 = arith.constant 0 : i32
    return %arg0, %c0_i32 : i32, i32
  }
  func.func @transform_2(%arg0: i32) -> (i32, i32) {
    %c0_i32 = arith.constant 0 : i32
    %c0_i32_0 = arith.constant 0 : i32
    return %arg0, %c0_i32 : i32, i32
  }
  func.func @transform_3(%arg0: i32) -> (i32, i32) {
    %c0_i32 = arith.constant 0 : i32
    %c0_i32_0 = arith.constant 0 : i32
    return %arg0, %c0_i32 : i32, i32
  }
  func.func @transform_4(%arg0: i32) -> (i32, i32) {
    %c0_i32 = arith.constant 0 : i32
    %c0_i32_0 = arith.constant 0 : i32
    return %arg0, %c0_i32 : i32, i32
  }
  func.func @transform_5(%arg0: i32) -> (i32, i32) {
    %c0_i32 = arith.constant 0 : i32
    %c0_i32_0 = arith.constant 0 : i32
    return %arg0, %c0_i32 : i32, i32
  }
  func.func @transform_6(%arg0: i32) -> (i32, i32) {
    %c0_i32 = arith.constant 0 : i32
    %c0_i32_0 = arith.constant 0 : i32
    %c0_i32_1 = arith.constant 0 : i32
    return %c0_i32, %c0_i32_0 : i32, i32
  }
  func.func @transform_7(%arg0: i32) -> (i32, i32) {
    %c0_i32 = arith.constant 0 : i32
    %c0_i32_0 = arith.constant 0 : i32
    return %arg0, %c0_i32 : i32, i32
  }
}

module attributes {stable_mosaic.version = 14 : i64} {
  func.func @body(%arg0: i32, %arg1: memref<2000x64xf32, #tpu.memory_space<vmem>>, %arg2: memref<2000x64xf32, #tpu.memory_space<vmem>>, %arg3: memref<2000x1xf32, #tpu.memory_space<vmem>>, %arg4: memref<2000x1xf32, #tpu.memory_space<vmem>>, %arg5: memref<2000x64xf32, #tpu.memory_space<vmem>>, %arg6: memref<128x64xf32, #tpu.memory_space<vmem>>, %arg7: memref<128x64xf32, #tpu.memory_space<vmem>>, %arg8: memref<1x128xf32, #tpu.memory_space<vmem>>, %arg9: memref<2000x128xf32, #tpu.memory_space<vmem>>) attributes {dimension_semantics = [#tpu.dimension_semantics<arbitrary>], iteration_bounds = array<i64: 5>, scalar_prefetch = 0 : i64, scratch_operands = 0 : i64, tpu.core_type = #tpu.core_type<tc>, window_params = [{transform_indices = @transform_0, window_bounds = array<i64: 2000, 64>}, {transform_indices = @transform_1, window_bounds = array<i64: 2000, 64>}, {transform_indices = @transform_2, window_bounds = array<i64: 2000, 1>}, {transform_indices = @transform_3, window_bounds = array<i64: 2000, 1>}, {transform_indices = @transform_4, window_bounds = array<i64: 2000, 64>}, {pipeline_mode = #tpu.pipeline_mode<synchronous>, transform_indices = @transform_5, window_bounds = array<i64: 128, 64>}, {pipeline_mode = #tpu.pipeline_mode<synchronous>, transform_indices = @transform_6, window_bounds = array<i64: 128, 64>}, {pipeline_mode = #tpu.pipeline_mode<synchronous>, transform_indices = @transform_7, window_bounds = array<i64: 1, 128>}, {transform_indices = @transform_8, window_bounds = array<i64: 2000, 128>}]} {
    %get3A = arith.constant 0 : index
    %get3A_0 = arith.constant 0 : index
    %get3A_1 = vector.load %arg3[%get3A, %get3A_0] : memref<2000x1xf32, #tpu.memory_space<vmem>>, vector<2000x1xf32>
    %add3A = arith.constant 1.000000e+00 : f32
    %add3A_2 = vector.broadcast %add3A : f32 to vector<2000x1xf32>
    %add3A_3 = arith.addf %add3A_2, %get3A_1 : vector<2000x1xf32>
    %get3A_4 = arith.constant 0 : index
    %get3A_5 = arith.constant 0 : index
    %get3A_6 = vector.load %arg4[%get3A_4, %get3A_5] : memref<2000x1xf32, #tpu.memory_space<vmem>>, vector<2000x1xf32>
    %add3A_7 = arith.addf %add3A_3, %get3A_6 : vector<2000x1xf32>
    %div3A = arith.constant 1.000000e+00 : f32
    %div3A_8 = vector.broadcast %div3A : f32 to vector<2000x1xf32>
    %div3A_9 = arith.divf %div3A_8, %add3A_7 : vector<2000x1xf32>
    %get3A_10 = arith.constant 0 : index
    %get3A_11 = arith.constant 0 : index
    %get3A_12 = vector.load %arg5[%get3A_10, %get3A_11] : memref<2000x64xf32, #tpu.memory_space<vmem>>, vector<2000x64xf32>
    %get3A_13 = arith.constant 0 : index
    %get3A_14 = arith.constant 0 : index
    %get3A_15 = vector.load %arg1[%get3A_13, %get3A_14] : memref<2000x64xf32, #tpu.memory_space<vmem>>, vector<2000x64xf32>
    %get3A_16 = arith.constant 0 : index
    %get3A_17 = arith.constant 0 : index
    %get3A_18 = vector.load %arg2[%get3A_16, %get3A_17] : memref<2000x64xf32, #tpu.memory_space<vmem>>, vector<2000x64xf32>
    %add3A_19 = arith.addf %get3A_15, %get3A_18 : vector<2000x64xf32>
    %add3A_20 = arith.addf %add3A_19, %get3A_12 : vector<2000x64xf32>
    %mul3A = vector.broadcast %div3A_9 : vector<2000x1xf32> to vector<2000x64xf32>
    %mul3A_21 = arith.mulf %mul3A, %add3A_20 : vector<2000x64xf32>
    %get3A_22 = arith.constant 0 : index
    %get3A_23 = arith.constant 0 : index
    %get3A_24 = vector.load %arg6[%get3A_22, %get3A_23] : memref<128x64xf32, #tpu.memory_space<vmem>>, vector<128x64xf32>
    %dot_general3A = arith.constant dense<0.000000e+00> : vector<2000x128xf32>
    %dot_general3A_25 = tpu.matmul %mul3A_21, %get3A_24, %dot_general3A {dimension_numbers = #tpu.dot_dimension_numbers<[1], [1], [0], [0], [0, 0, 1, 0], [], []>, transpose_lhs_hint = false} : vector<2000x64xf32>, vector<128x64xf32>, vector<2000x128xf32> -> vector<2000x128xf32>
    %get3A_26 = arith.constant 0 : index
    %get3A_27 = arith.constant 0 : index
    %get3A_28 = vector.load %arg7[%get3A_26, %get3A_27] : memref<128x64xf32, #tpu.memory_space<vmem>>, vector<128x64xf32>
    %dot_general3A_29 = arith.constant dense<0.000000e+00> : vector<2000x128xf32>
    %dot_general3A_30 = tpu.matmul %get3A_12, %get3A_28, %dot_general3A_29 {dimension_numbers = #tpu.dot_dimension_numbers<[1], [1], [0], [0], [0, 0, 1, 0], [], []>, transpose_lhs_hint = false} : vector<2000x64xf32>, vector<128x64xf32>, vector<2000x128xf32> -> vector<2000x128xf32>
    %add3A_31 = arith.addf %dot_general3A_25, %dot_general3A_30 : vector<2000x128xf32>
    %get3A_32 = arith.constant 0 : index
    %get3A_33 = arith.constant 0 : index
    %get3A_34 = vector.load %arg8[%get3A_32, %get3A_33] : memref<1x128xf32, #tpu.memory_space<vmem>>, vector<1x128xf32>
    %add3A_35 = vector.broadcast %get3A_34 : vector<1x128xf32> to vector<2000x128xf32>
    %add3A_36 = arith.addf %add3A_31, %add3A_35 : vector<2000x128xf32>
    %max3A = arith.constant 0.000000e+00 : f32
    %max3A_37 = vector.broadcast %max3A : f32 to vector<2000x128xf32>
    %max3A_38 = arith.maximumf %add3A_36, %max3A_37 : vector<2000x128xf32>
    %swap3A = arith.constant 0 : index
    %swap3A_39 = arith.constant 0 : index
    %swap3A_40 = vector.load %arg9[%swap3A, %swap3A_39] : memref<2000x128xf32, #tpu.memory_space<vmem>>, vector<2000x128xf32>
    tpu.vector_store %arg9[%swap3A, %swap3A_39], %max3A_38 {strides = array<i32>} : memref<2000x128xf32, #tpu.memory_space<vmem>>, vector<2000x128xf32>,
    return
  }
  func.func @transform_0(%arg0: i32) -> (i32, i32) {
    %c0_i32 = arith.constant 0 : i32
    %c0_i32_0 = arith.constant 0 : i32
    return %arg0, %c0_i32 : i32, i32
  }
  func.func @transform_1(%arg0: i32) -> (i32, i32) {
    %c0_i32 = arith.constant 0 : i32
    %c0_i32_0 = arith.constant 0 : i32
    return %arg0, %c0_i32 : i32, i32
  }
  func.func @transform_2(%arg0: i32) -> (i32, i32) {
    %c0_i32 = arith.constant 0 : i32
    %c0_i32_0 = arith.constant 0 : i32
    return %arg0, %c0_i32 : i32, i32
  }
  func.func @transform_3(%arg0: i32) -> (i32, i32) {
    %c0_i32 = arith.constant 0 : i32
    %c0_i32_0 = arith.constant 0 : i32
    return %arg0, %c0_i32 : i32, i32
  }
  func.func @transform_4(%arg0: i32) -> (i32, i32) {
    %c0_i32 = arith.constant 0 : i32
    %c0_i32_0 = arith.constant 0 : i32
    return %arg0, %c0_i32 : i32, i32
  }
  func.func @transform_5(%arg0: i32) -> (i32, i32) {
    %c0_i32 = arith.constant 0 : i32
    %c0_i32_0 = arith.constant 0 : i32
    %c0_i32_1 = arith.constant 0 : i32
    return %c0_i32, %c0_i32_0 : i32, i32
  }
  func.func @transform_6(%arg0: i32) -> (i32, i32) {
    %c0_i32 = arith.constant 0 : i32
    %c0_i32_0 = arith.constant 0 : i32
    %c0_i32_1 = arith.constant 0 : i32
    return %c0_i32, %c0_i32_0 : i32, i32
  }
  func.func @transform_7(%arg0: i32) -> (i32, i32) {
    %c0_i32 = arith.constant 0 : i32
    %c0_i32_0 = arith.constant 0 : i32
    %c0_i32_1 = arith.constant 0 : i32
    return %c0_i32, %c0_i32_0 : i32, i32
  }
  func.func @transform_8(%arg0: i32) -> (i32, i32) {
    %c0_i32 = arith.constant 0 : i32
    %c0_i32_0 = arith.constant 0 : i32
    return %arg0, %c0_i32 : i32, i32
  }
}

module attributes {stable_mosaic.version = 14 : i64} {
  func.func @body(%arg0: i32, %arg1: memref<2000x128xf32, #tpu.memory_space<vmem>>, %arg2: memref<2000x128xf32, #tpu.memory_space<vmem>>, %arg3: memref<2000x1xf32, #tpu.memory_space<vmem>>, %arg4: memref<2000x1xf32, #tpu.memory_space<vmem>>, %arg5: memref<2000x128xf32, #tpu.memory_space<vmem>>, %arg6: memref<256x128xf32, #tpu.memory_space<vmem>>, %arg7: memref<256x128xf32, #tpu.memory_space<vmem>>, %arg8: memref<1x256xf32, #tpu.memory_space<vmem>>, %arg9: memref<128x256xf32, #tpu.memory_space<vmem>>, %arg10: memref<1x128xf32, #tpu.memory_space<vmem>>, %arg11: memref<2000x128xf32, #tpu.memory_space<vmem>>) attributes {dimension_semantics = [#tpu.dimension_semantics<arbitrary>], iteration_bounds = array<i64: 5>, scalar_prefetch = 0 : i64, scratch_operands = 0 : i64, tpu.core_type = #tpu.core_type<tc>, window_params = [{transform_indices = @transform_0, window_bounds = array<i64: 2000, 128>}, {transform_indices = @transform_1, window_bounds = array<i64: 2000, 128>}, {transform_indices = @transform_2, window_bounds = array<i64: 2000, 1>}, {transform_indices = @transform_3, window_bounds = array<i64: 2000, 1>}, {transform_indices = @transform_4, window_bounds = array<i64: 2000, 128>}, {pipeline_mode = #tpu.pipeline_mode<synchronous>, transform_indices = @transform_5, window_bounds = array<i64: 256, 128>}, {pipeline_mode = #tpu.pipeline_mode<synchronous>, transform_indices = @transform_6, window_bounds = array<i64: 256, 128>}, {pipeline_mode = #tpu.pipeline_mode<synchronous>, transform_indices = @transform_7, window_bounds = array<i64: 1, 256>}, {pipeline_mode = #tpu.pipeline_mode<synchronous>, transform_indices = @transform_8, window_bounds = array<i64: 128, 256>}, {pipeline_mode = #tpu.pipeline_mode<synchronous>, transform_indices = @transform_9, window_bounds = array<i64: 1, 128>}, {transform_indices = @transform_10, window_bounds = array<i64: 2000, 128>}]} {
    %get3A = arith.constant 0 : index
    %get3A_0 = arith.constant 0 : index
    %get3A_1 = vector.load %arg3[%get3A, %get3A_0] : memref<2000x1xf32, #tpu.memory_space<vmem>>, vector<2000x1xf32>
    %add3A = arith.constant 1.000000e+00 : f32
    %add3A_2 = vector.broadcast %add3A : f32 to vector<2000x1xf32>
    %add3A_3 = arith.addf %add3A_2, %get3A_1 : vector<2000x1xf32>
    %get3A_4 = arith.constant 0 : index
    %get3A_5 = arith.constant 0 : index
    %get3A_6 = vector.load %arg4[%get3A_4, %get3A_5] : memref<2000x1xf32, #tpu.memory_space<vmem>>, vector<2000x1xf32>
    %add3A_7 = arith.addf %add3A_3, %get3A_6 : vector<2000x1xf32>
    %div3A = arith.constant 1.000000e+00 : f32
    %div3A_8 = vector.broadcast %div3A : f32 to vector<2000x1xf32>
    %div3A_9 = arith.divf %div3A_8, %add3A_7 : vector<2000x1xf32>
    %get3A_10 = arith.constant 0 : index
    %get3A_11 = arith.constant 0 : index
    %get3A_12 = vector.load %arg5[%get3A_10, %get3A_11] : memref<2000x128xf32, #tpu.memory_space<vmem>>, vector<2000x128xf32>
    %get3A_13 = arith.constant 0 : index
    %get3A_14 = arith.constant 0 : index
    %get3A_15 = vector.load %arg1[%get3A_13, %get3A_14] : memref<2000x128xf32, #tpu.memory_space<vmem>>, vector<2000x128xf32>
    %get3A_16 = arith.constant 0 : index
    %get3A_17 = arith.constant 0 : index
    %get3A_18 = vector.load %arg2[%get3A_16, %get3A_17] : memref<2000x128xf32, #tpu.memory_space<vmem>>, vector<2000x128xf32>
    %add3A_19 = arith.addf %get3A_15, %get3A_18 : vector<2000x128xf32>
    %add3A_20 = arith.addf %add3A_19, %get3A_12 : vector<2000x128xf32>
    %mul3A = vector.broadcast %div3A_9 : vector<2000x1xf32> to vector<2000x128xf32>
    %mul3A_21 = arith.mulf %mul3A, %add3A_20 : vector<2000x128xf32>
    %get3A_22 = arith.constant 0 : index
    %get3A_23 = arith.constant 0 : index
    %get3A_24 = vector.load %arg6[%get3A_22, %get3A_23] : memref<256x128xf32, #tpu.memory_space<vmem>>, vector<256x128xf32>
    %dot_general3A = arith.constant dense<0.000000e+00> : vector<2000x256xf32>
    %dot_general3A_25 = tpu.matmul %mul3A_21, %get3A_24, %dot_general3A {dimension_numbers = #tpu.dot_dimension_numbers<[1], [1], [0], [0], [0, 0, 1, 0], [], []>, transpose_lhs_hint = false} : vector<2000x128xf32>, vector<256x128xf32>, vector<2000x256xf32> -> vector<2000x256xf32>
    %get3A_26 = arith.constant 0 : index
    %get3A_27 = arith.constant 0 : index
    %get3A_28 = vector.load %arg7[%get3A_26, %get3A_27] : memref<256x128xf32, #tpu.memory_space<vmem>>, vector<256x128xf32>
    %dot_general3A_29 = arith.constant dense<0.000000e+00> : vector<2000x256xf32>
    %dot_general3A_30 = tpu.matmul %get3A_12, %get3A_28, %dot_general3A_29 {dimension_numbers = #tpu.dot_dimension_numbers<[1], [1], [0], [0], [0, 0, 1, 0], [], []>, transpose_lhs_hint = false} : vector<2000x128xf32>, vector<256x128xf32>, vector<2000x256xf32> -> vector<2000x256xf32>
    %add3A_31 = arith.addf %dot_general3A_25, %dot_general3A_30 : vector<2000x256xf32>
    %get3A_32 = arith.constant 0 : index
    %get3A_33 = arith.constant 0 : index
    %get3A_34 = vector.load %arg8[%get3A_32, %get3A_33] : memref<1x256xf32, #tpu.memory_space<vmem>>, vector<1x256xf32>
    %add3A_35 = vector.broadcast %get3A_34 : vector<1x256xf32> to vector<2000x256xf32>
    %add3A_36 = arith.addf %add3A_31, %add3A_35 : vector<2000x256xf32>
    %max3A = arith.constant 0.000000e+00 : f32
    %max3A_37 = vector.broadcast %max3A : f32 to vector<2000x256xf32>
    %max3A_38 = arith.maximumf %add3A_36, %max3A_37 : vector<2000x256xf32>
    %get3A_39 = arith.constant 0 : index
    %get3A_40 = arith.constant 0 : index
    %get3A_41 = vector.load %arg9[%get3A_39, %get3A_40] : memref<128x256xf32, #tpu.memory_space<vmem>>, vector<128x256xf32>
    %dot_general3A_42 = arith.constant dense<0.000000e+00> : vector<2000x128xf32>
    %dot_general3A_43 = tpu.matmul %max3A_38, %get3A_41, %dot_general3A_42 {dimension_numbers = #tpu.dot_dimension_numbers<[1], [1], [0], [0], [0, 0, 1, 0], [], []>, transpose_lhs_hint = false} : vector<2000x256xf32>, vector<128x256xf32>, vector<2000x128xf32> -> vector<2000x128xf32>
    %get3A_44 = arith.constant 0 : index
    %get3A_45 = arith.constant 0 : index
    %get3A_46 = vector.load %arg10[%get3A_44, %get3A_45] : memref<1x128xf32, #tpu.memory_space<vmem>>, vector<1x128xf32>
    %add3A_47 = vector.broadcast %get3A_46 : vector<1x128xf32> to vector<2000x128xf32>
    %add3A_48 = arith.addf %dot_general3A_43, %add3A_47 : vector<2000x128xf32>
    %neg3A = arith.constant 0.000000e+00 : f32
    %neg3A_49 = vector.broadcast %neg3A : f32 to vector<2000x128xf32>
    %neg3A_50 = arith.subf %neg3A_49, %add3A_48 : vector<2000x128xf32>
    %exp3A = math.exp %neg3A_50 : vector<2000x128xf32>
    %add3A_51 = arith.constant 1.000000e+00 : f32
    %add3A_52 = vector.broadcast %add3A_51 : f32 to vector<2000x128xf32>
    %add3A_53 = arith.addf %add3A_52, %exp3A : vector<2000x128xf32>
    %div3A_54 = arith.constant 1.000000e+00 : f32
    %div3A_55 = vector.broadcast %div3A_54 : f32 to vector<2000x128xf32>
    %div3A_56 = arith.divf %div3A_55, %add3A_53 : vector<2000x128xf32>
    %swap3A = arith.constant 0 : index
    %swap3A_57 = arith.constant 0 : index
    %swap3A_58 = vector.load %arg11[%swap3A, %swap3A_57] : memref<2000x128xf32, #tpu.memory_space<vmem>>, vector<2000x128xf32>
    tpu.vector_store %arg11[%swap3A, %swap3A_57], %div3A_56 {strides = array<i32>} : memref<2000x128xf32, #tpu.memory_space<vmem>>, vector<2000x128xf32>,
    return
  }
  func.func @transform_0(%arg0: i32) -> (i32, i32) {
    %c0_i32 = arith.constant 0 : i32
    %c0_i32_0 = arith.constant 0 : i32
    return %arg0, %c0_i32 : i32, i32
  }
  func.func @transform_1(%arg0: i32) -> (i32, i32) {
    %c0_i32 = arith.constant 0 : i32
    %c0_i32_0 = arith.constant 0 : i32
    return %arg0, %c0_i32 : i32, i32
  }
  func.func @transform_2(%arg0: i32) -> (i32, i32) {
    %c0_i32 = arith.constant 0 : i32
    %c0_i32_0 = arith.constant 0 : i32
    return %arg0, %c0_i32 : i32, i32
  }
  func.func @transform_3(%arg0: i32) -> (i32, i32) {
    %c0_i32 = arith.constant 0 : i32
    %c0_i32_0 = arith.constant 0 : i32
    return %arg0, %c0_i32 : i32, i32
  }
  func.func @transform_4(%arg0: i32) -> (i32, i32) {
    %c0_i32 = arith.constant 0 : i32
    %c0_i32_0 = arith.constant 0 : i32
    return %arg0, %c0_i32 : i32, i32
  }
  func.func @transform_5(%arg0: i32) -> (i32, i32) {
    %c0_i32 = arith.constant 0 : i32
    %c0_i32_0 = arith.constant 0 : i32
    %c0_i32_1 = arith.constant 0 : i32
    return %c0_i32, %c0_i32_0 : i32, i32
  }
  func.func @transform_6(%arg0: i32) -> (i32, i32) {
    %c0_i32 = arith.constant 0 : i32
    %c0_i32_0 = arith.constant 0 : i32
    %c0_i32_1 = arith.constant 0 : i32
    return %c0_i32, %c0_i32_0 : i32, i32
  }
  func.func @transform_7(%arg0: i32) -> (i32, i32) {
    %c0_i32 = arith.constant 0 : i32
    %c0_i32_0 = arith.constant 0 : i32
    %c0_i32_1 = arith.constant 0 : i32
    return %c0_i32, %c0_i32_0 : i32, i32
  }
  func.func @transform_8(%arg0: i32) -> (i32, i32) {
    %c0_i32 = arith.constant 0 : i32
    %c0_i32_0 = arith.constant 0 : i32
    %c0_i32_1 = arith.constant 0 : i32
    return %c0_i32, %c0_i32_0 : i32, i32
  }
  func.func @transform_9(%arg0: i32) -> (i32, i32) {
    %c0_i32 = arith.constant 0 : i32
    %c0_i32_0 = arith.constant 0 : i32
    %c0_i32_1 = arith.constant 0 : i32
    return %c0_i32, %c0_i32_0 : i32, i32
  }
  func.func @transform_10(%arg0: i32) -> (i32, i32) {
    %c0_i32 = arith.constant 0 : i32
    %c0_i32_0 = arith.constant 0 : i32
    return %arg0, %c0_i32 : i32, i32
  }
}

</mosaic_0001>

<sc_bundles>
// kernel: kernel.12.cloned.1.call-start
scs
__scs_entry_jumppad:
0x0: {  	(pc) =	sbr.rel $0x88, $3  }
0x1: {  	(tag) =	ssettag $0x0;
	lr =	simm.s32 $0x1  }
0x2: {  	[smem:$0x3F94] =	sst lr;
	_ =	strace $0xD0000000  }
0x3: {  	_ = 	snop  }
0x4: {  	_ = 	snop  }
0x5: {  	_ = 	snop  }
0x6: {  	_ = 	snop  }
0x7: {  	_ = 	snop  }
__scs_overlays_trampoline_lowered:
0x8: {  	[smem:$0x3FA3] =	sst s0  }
0x9: {  	[smem:$0x3FA4] =	sst s1  }
0xa: {  	[smem:$0x3FA5] =	sst s2  }
0xb: {  	[smem:$0x3FA6] =	sst s3  }
0xc: {  	[smem:$0x3FA7] =	sst s4  }
0xd: {  	[smem:$0x3FA8] =	sst s5  }
0xe: {  	[smem:$0x3FA9] =	sst s6  }
0xf: {  	[smem:$0x3FAA] =	sst s7  }
0x10: {  	[smem:$0x3FAB] =	sst s8  }
0x11: {  	[smem:$0x3FAC] =	sst s9;
	s0 =	simm.s32 @!p0 $0x0  }
0x12: {  	s1 =	sld [smem:$0x3F92];
	s0 =	simm.s32 @p0 $0x1  }
0x13: {  	[smem:$0x3FAD] =	sst s0;
	s0 =	simm.s32 @!p1 $0x0  }
0x14: {  	s2 =	sld [smem:$0x3F91];
	s0 =	simm.s32 @p1 $0x1  }
0x15: {  	[smem:$0x3FAE] =	sst s0;
	s0 =	simm.s32 @!p2 $0x0  }
0x16: {  	s3 =	sld [smem:$0x3FDB];
	s0 =	simm.s32 @p2 $0x1  }
0x17: {  	s4 =	simm.s32 $0x1BF5;
	[smem:$0x3FB0] =	sst s0  }
0x18: {  	s0 =	sld [smem:$0x3F93];
	_ =	swait.ge [sflag:s4], $0x0  }
0x19: {  	s7 =	sld [smem:$0x3F94]  }
0x1a: {  	s8 =	sadd.s32 $0xFFFFE003, lr  }
0x1b: {  	s9 =	sadd.s32 $0xFFFFFEF7, lr;
	s5 =	simm.s32 $0xFFFFFFFF;
	p2 =	slt.u32 s8, $0xFFFFF086  }
0x1c: {  	p1 =	slt.u32 s9, $0xF7A;
	s5 =	simm.s32 @!p2 $0x0  }
0x1d: {  	s5 =	simm.s32 @p1 $0x1;
	p0 =	seq.s32 s7, s2  }
0x1e: {  	s7 =	smul.u32 @!p0 $0xF7A, s2;
	p2 =	seq.s32 @!p0 s5, $0x0  }
0x1f: {  	s9 =	smul.u32 $0xF7A, s1;
	s8 =	simm.s32 @!p0 $0x1BF5;
	p2 =	por !p2, p0  }
0x20: {  	[sflag:s8] =	ssyncset.s32 @!p0 $0xFFFFF086;
	s6 =	sadd.s32 @!p0 s3, s7;
	s7 =	simm.s32 @!p0 $0x108  }
0x21: {  	s3 =	sadd.s32 s3, s9;
	s6 =	sadd.s32 @!p0 $0x88, s6;
	s7 =	simm.s32 @p2 $0x1082  }
0x22: {  	[simem:s7], [sflag:s8] =	dma.local @!p0 [hbm:s6], $0xF7A  }
0x23: {  	s9 =	sor.u32 $0xD0000000, s2;
	s6 =	simm.s32 $0x108;
	_ =	swait.ge @!p0 [sflag:s8], $0x0  }
0x24: {  	s3 =	sadd.s32 $0x88, s3;
	s6 =	simm.s32 @!p1 $0x1082;
	[sflag:s4] =	ssyncset.s32 $0xFFFFF086  }
0x25: {  	[simem:s6], [sflag:s4] =	dma.local [hbm:s3], $0xF7A  }
0x26: {  	[smem:$0x3F94] =	sst s1;
	(tag) =	ssettag s2;
	_ =	strace s9  }
0x27: {  	s1 =	sld [smem:$0x3FA4]  }
0x28: {  	s2 =	sld [smem:$0x3FA5]  }
0x29: {  	s4 =	sld [smem:$0x3FA7]  }
0x2a: {  	p0 =	seq.s32 s5, $0x0;
	s5 =	sld [smem:$0x3FA8]  }
0x2b: {  	s6 =	sld [smem:$0x3FA9]  }
0x2c: {  	s7 =	sld [smem:$0x3FAA]  }
0x2d: {  	s3 =	simm.s32 $0x108;
	s8 =	sld [smem:$0x3FAB]  }
0x2e: {  	s3 =	simm.s32 @!p0 $0x1082;
	s9 =	sld [smem:$0x3FAC]  }
0x2f: {  	lr =	sadd.s32 s0, s3;
	s0 =	sld [smem:$0x3FA3]  }
0x30: {  	s3 =	sld [smem:$0x3FA6]  }
0x31: {  	[smem:$0x3FAF] =	sst s10  }
0x32: {  	s10 =	sld [smem:$0x3FAD];
	_ =	sdelay $0x3  }
0x33: {  	p0 =	seq.s32 s10, $0x1;
	s10 =	sld [smem:$0x3FAF];
	_ =	sdelay $0x3  }
0x34: {  	[smem:$0x3FAF] =	sst s10  }
0x35: {  	s10 =	sld [smem:$0x3FAE];
	_ =	sdelay $0x3  }
0x36: {  	p1 =	seq.s32 s10, $0x1;
	s10 =	sld [smem:$0x3FAF];
	_ =	sdelay $0x3  }
0x37: {  	[smem:$0x3FAF] =	sst s10  }
0x38: {  	s10 =	sld [smem:$0x3FB0]  }
0x39: {  	_ = 	snop;
	(pc) =	sbr.ind lr, $3  }
0x3a: {  	_ = 	snop  }
0x3b: {  	_ = 	snop  }
0x3c: {  	p2 =	seq.s32 s10, $0x1;
	s10 =	sld [smem:$0x3FAF]  }
0x3d: {  	_ =	shalt  }
0x3e: {  	_ =	shalt  }
0x3f: {  	_ =	shalt  }
0x40: {  	_ =	shalt  }
0x41: {  	_ =	shalt  }
0x42: {  	_ =	shalt  }
0x43: {  	_ =	shalt  }
0x44: {  	_ =	shalt  }
0x45: {  	_ =	shalt  }
0x46: {  	_ =	shalt  }
0x47: {  	_ =	shalt  }
0x48: {  	_ =	shalt  }
0x49: {  	_ =	shalt  }
0x4a: {  	_ =	shalt  }
0x4b: {  	_ =	shalt  }
0x4c: {  	_ =	shalt  }
0x4d: {  	_ =	shalt  }
0x4e: {  	_ =	shalt  }
0x4f: {  	_ =	shalt  }
0x50: {  	_ =	shalt  }
0x51: {  	_ =	shalt  }
0x52: {  	_ =	shalt  }
0x53: {  	_ =	shalt  }
0x54: {  	_ =	shalt  }
0x55: {  	_ =	shalt  }
0x56: {  	_ =	shalt  }
0x57: {  	_ =	shalt  }
0x58: {  	_ =	shalt  }
0x59: {  	_ =	shalt  }
0x5a: {  	_ =	shalt  }
0x5b: {  	_ =	shalt  }
0x5c: {  	_ =	shalt  }
0x5d: {  	_ =	shalt  }
0x5e: {  	_ =	shalt  }
0x5f: {  	_ =	shalt  }
0x60: {  	_ =	shalt  }
0x61: {  	_ =	shalt  }
0x62: {  	_ =	shalt  }
0x63: {  	_ =	shalt  }
0x64: {  	_ =	shalt  }
0x65: {  	_ =	shalt  }
0x66: {  	_ =	shalt  }
0x67: {  	_ =	shalt  }
0x68: {  	_ =	shalt  }
0x69: {  	_ =	shalt  }
0x6a: {  	_ =	shalt  }
0x6b: {  	_ =	shalt  }
0x6c: {  	_ =	shalt  }
0x6d: {  	_ =	shalt  }
0x6e: {  	_ =	shalt  }
0x6f: {  	_ =	shalt  }
0x70: {  	_ =	shalt  }
0x71: {  	_ =	shalt  }
0x72: {  	_ =	shalt  }
0x73: {  	_ =	shalt  }
0x74: {  	_ =	shalt  }
0x75: {  	_ =	shalt  }
0x76: {  	_ =	shalt  }
0x77: {  	_ =	shalt  }
0x78: {  	_ =	shalt  }
0x79: {  	_ =	shalt  }
0x7a: {  	_ =	shalt  }
0x7b: {  	_ =	shalt  }
0x7c: {  	_ =	shalt  }
0x7d: {  	_ =	shalt  }
0x7e: {  	_ =	shalt  }
0x7f: {  	_ =	shalt  }
0x80: {  	_ =	shalt  }
0x81: {  	_ =	shalt  }
0x82: {  	_ =	shalt  }
0x83: {  	_ =	shalt  }
0x84: {  	_ =	shalt  }
0x85: {  	_ =	shalt  }
0x86: {  	_ =	shalt  }
0x87: {  	_ =	shalt  }
.Lfunc_end0:
.L_simem_size_0:
called_computation.1_lowered:
.L_overlay_start_0:
0x88: {  	s2 =	sld [smem:$0x3FD9]  }
0x89: {  	s3 =	sld [smem:$0x3FFE];
	_ =	sdelay $0x1  }
0x8a: {  	s1 =	srdreg.scid  }
0x8b: {  	s0 =	sand.u32 $0x1, s1  }
0x8c: {  	s16 =	sshll.u32 s0, $0xA;
	s2 =	sadd.s32 s3, s2  }
0x8d: {  	s2 =	sadd.s32 s2, s16  }
0x8e: {  	[smem:$0x3FBB] =	sst s2  }
0x8f: {  	_ = 	snop  }
0x90: {  	(tm) =	ssettm $0x1  }
0x91: {  	s17 =	sld [smem:$0x3FFB];
	_ =	sdelay $0x3  }
0x92: {  	_ =	strace s17  }
0x93: {  	s2 =	sld [smem:$0x3FFC];
	_ =	sdelay $0x3  }
0x94: {  	_ =	strace s2  }
0x95: {  	s2 =	sld [smem:$0x3FFD];
	_ =	sdelay $0x3  }
0x96: {  	_ =	strace s2  }
0x97: {  	_ =	strace $0x8FFFFFFF  }
0x98: {  	s18 =	sld [smem:$0x3FDB];
	_ =	sdelay $0x1  }
0x99: {  	s19 =	simm.s32 $_scs_section_size  }
0x9a: {  	s4 =	simm.s32 $_size__tile_overlayer_lowered;
	s5 =	simm.s32 $_tile_overlayer_lowered  }
0x9b: {  	s22 =	simm.s32 $0x1BFF;
	s21 =	sshll.u32 s5, $0x1;
	s2 =	sadd.s32 s19, s18  }
0x9c: {  	s6 =	simm.s32 $0x0;
	s20 =	sshll.u32 s4, $0x1;
	s4 =	sadd.s32 s21, s2  }
0x9d: {  	[timem:s6], [sflag:s22] =	dma.local [hbm:s4], s20  }
0x9e: {  	_ =	swait.ge [sflag:s22], s20  }
0x9f: {  	s3 =	ssub.s32 $0x0, s20;
	[sflag:s22] =	ssyncset.done $0x0  }
0xa0: {  	[sflag:s22] =	ssyncadd.s32 s3;
	_ =	sdelay $0x1  }
0xa1: {  	s23 =	simm.s32 $0x1B8B  }
0xa2: {  	_ =	swait.ge [sflag:s23], $0x1  }
0xa3: {  	[sflag:s23] =	ssyncset.done $0x0  }
0xa4: {  	s25 =	simm.s32 $0x1B8E;
	s24 =	sld [smem:$0x3FFE];
	[sflag:s23] =	ssyncadd.s32 $0xFFFFFFFF  }
0xa5: {  	s26 =	simm.s32 $execute0_lowered;
	[smem:$0x3FD2] =	sst s25  }
0xa6: {  	s4 =	sshll.u32 s26, $0x1;
	_ =	strace $0x80000049;
	[dreg:$0x1] =	wrdreg $0xFFFFFFFF  }
0xa7: {  	s28 =	simm.s32 $_size_execute0_lowered;
	s2 =	sadd.s32 s2, s4;
	[dreg:$0x0] =	wrdreg $0x0  }
0xa8: {  	s4 =	sshll.u32 s28, $0x1;
	[dreg:$0x2] =	wrdreg s2  }
0xa9: {  	[dreg:$0x3] =	wrdreg s4  }
0xaa: {  	[dreg:$0x4] =	wrdreg $0xC0  }
0xab: {  	_ =	task [dreg:s6], $0x5FFFF  }
0xac: {  	[dreg:$0x1] =	wrdreg $0xFFFFFFFF  }
0xad: {  	[dreg:$0x0] =	wrdreg $0x60  }
0xae: {  	[dreg:$0x2] =	wrdreg s24  }
0xaf: {  	[dreg:$0x3] =	wrdreg $0x31000  }
0xb0: {  	[dreg:$0x4] =	wrdreg $0x9  }
0xb1: {  	_ =	task.clear_ibuf [dreg:s6], $0x5FFFF;
	_ =	strace $0x90000049  }
0xb2: {  	s29 =	simm.s32 $0x9;
	_ =	strace $0x8000004B  }
0xb3: {  	_ =	swait.ge [sflag:s29], $0x1  }
0xb4: {  	[sflag:s29] =	ssyncadd.s32 $0xFFFFFFFF  }
0xb5: {  	_ =	strace $0x9000004B  }
0xb6: {  	_ =	sfence  }
0xb7: {  	s30 =	sld [smem:$0x0];
	_ =	sdelay $0x2  }
0xb8: {  	s31 =	sshll.u32 s1, $0xD;
	s1 =	sshrl.u32 s1, $0x2  }
0xb9: {  	s3 =	sand.u32 $0x4000, s31;
	s1 =	sadd.s32 s1, s30  }
0xba: {  	s0 =	sor.u32 s3, s0;
	s1 =	sshll.u32 s1, $0x11  }
0xbb: {  	s0 =	sor.u32 s1, s0  }
0xbc: {  	s0 =	sadd.s32 $0x8F2B, s0  }
0xbd: {  	[sflag:s0] =	ssyncadd.remote.s32 $0x1  }
0xbe: {  	_ =	sfence.sel $0xFFFF  }
0xbf: {  	[dreg:$0x0] =	wrdreg $0xFFFFFFFF;
	(pc) =	sbr.abs _section_cstart, $3  }
0xc0: {  	[dreg:$0x1] =	wrdreg $0xFFFFFFFF  }
0xc1: {  	_ =	task.clear_ibuf [dreg:s6], $0x2FFFF;
	_ =	strace $0x9FFFFFFF  }
0xc2: {  	(tm) =	ssettm $0x7FFFFFFF  }
0xc3: {  	_ =	shalt  }
tec
execute0_lowered:
.L_overlay_start_1:
0x0: {  	(tag) =	ssettag $0x1  }
0x1: {  	s14 =	stileid.u32  }
0x2: {  	s0 =	srdreg.scid;
	s3 =	smul.u32 $0x2780, s14  }
0x3: {  	s0 =	sand.u32 $0x1, s0;
	s6 =	smul.u32 $0xA000, s14  }
0x4: {  	s4 =	rddreg [dreg:$0x0];
	s1 =	simm.s32 $0x0;
	s2 =	smul.u32 $0x27800, s0  }
0x5: {  	[smem:$0x7FF] =	sst s1;
	s5 =	smul.u32 $0xA0000, s0;
	s0 =	ssub.s32 $0x2, s0  }
0x6: {  	s26 =	smul.u32 $0x28000, s14;
	s14 =	sadd.s32 $0x8C600, s4;
	s7 =	sshrl.u32 s0, $0x1  }
0x7: {  	s8 =	sor.u32 $0x1000, s6;
	s10 =	sadd.s32 $0x2000, s6;
	s11 =	sadd.s32 $0x4000, s6  }
0x8: {  	s2 =	sadd.s32 s3, s2;
	s3 =	sadd.s32 $0x34400, s4;
	s0 =	ssub.s32 s0, s7  }
0x9: {  	s12 =	sadd.s32 s5, s6;
	s9 =	sadd.s32 s5, s8;
	s15 =	sadd.s32 s5, s10  }
0xa: {  	s7 =	sshrl.u32 s12, $0x3;
	s13 =	sshrl.u32 s9, $0x3;
	s16 =	sshrl.u32 s15, $0x3  }
0xb: {  	s9 =	sadd.s32 $0x3000, s6;
	s12 =	sadd.s32 s5, s11;
	s2 =	sshrl.u32 s2, $0x3  }
0xc: {  	s0 =	smax.u32 s0, $0x1;
	s7 =	sadd.s32 s3, s7;
	s17 =	sadd.s32 s5, s9  }
0xd: {  	s18 =	sshrl.u32 s12, $0x3;
	s12 =	rddreg [dreg:$0x1];
	s2 =	sadd.s32 s2, s4  }
0xe: {  	[dreg:$0x3] =	wrdreg s7;
	s7 =	sadd.s32 s3, s13;
	s13 =	sadd.s32 $0x5000, s6  }
0xf: {  	s11 =	sadd.s32 s11, s12;
	[dreg:$0x4] =	wrdreg s7;
	s7 =	sadd.s32 s3, s16  }
0x10: {  	s19 =	sadd.s32 s5, s13;
	s16 =	sadd.s32 $0x6000, s6;
	s13 =	sadd.s32 s13, s12  }
0x11: {  	[dreg:$0x5] =	wrdreg s7;
	s7 =	sshrl.u32 s17, $0x3;
	s20 =	sshrl.u32 s19, $0x3  }
0x12: {  	s21 =	sadd.s32 s5, s16;
	s17 =	sadd.s32 $0x7000, s6;
	s19 =	sadd.s32 $0x9000, s6  }
0x13: {  	s16 =	sadd.s32 s16, s12;
	s7 =	sadd.s32 s3, s7;
	s22 =	sadd.s32 s5, s17  }
0x14: {  	[dreg:$0x6] =	wrdreg s7;
	s7 =	sadd.s32 s3, s18;
	s18 =	sadd.s32 $0x8000, s6  }
0x15: {  	s23 =	sshrl.u32 s22, $0x3;
	s6 =	sadd.s32 s6, s12;
	s22 =	sadd.s32 s19, s12  }
0x16: {  	[dreg:$0x7] =	wrdreg s7;
	s7 =	sadd.s32 s3, s20;
	s24 =	sadd.s32 s5, s18  }
0x17: {  	s5 =	sadd.s32 s5, s19;
	s20 =	sadd.s32 s17, s12;
	s17 =	sadd.s32 $0xA0E00, s2  }
0x18: {  	s29 =	sshrl.u32 s22, $0x3;
	[dreg:$0x8] =	wrdreg s7;
	s7 =	sshrl.u32 s21, $0x3  }
0x19: {  	s25 =	sshrl.u32 s24, $0x3;
	s5 =	sshrl.u32 s5, $0x3;
	s7 =	sadd.s32 s3, s7  }
0x1a: {  	s21 =	sadd.s32 s18, s12;
	[dreg:$0x9] =	wrdreg s7;
	s7 =	sadd.s32 s3, s23  }
0x1b: {  	s18 =	sadd.s32 $0x3400, s2;
	s28 =	sshrl.u32 s21, $0x3;
	[dreg:$0xa] =	wrdreg s7  }
0x1c: {  	s7 =	sadd.s32 s3, s25;
	s3 =	sadd.s32 s3, s5;
	s5 =	sshrl.u32 s26, $0x2  }
0x1d: {  	s26 =	sshrl.u32 s11, $0x3;
	s11 =	simm.s32 $0x100;
	[dreg:$0xb] =	wrdreg s7  }
0x1e: {  	[dreg:$0xc] =	wrdreg s3;
	s15 =	sadd.s32 s5, s12;
	s7 =	sadd.s32 s8, s12  }
0x1f: {  	s8 =	sadd.s32 s10, s12;
	s10 =	sadd.s32 s9, s12;
	s9 =	simm.s32 $0x80  }
0x20: {  	_ =	strace $0x8000004A;
	[dreg:$0xd] =	wrdreg s0;
	s0 =	sshrl.u32 s6, $0x3  }
0x21: {  	s23 =	sshrl.u32 s7, $0x3;
	s24 =	sshrl.u32 s8, $0x3;
	s25 =	sshrl.u32 s10, $0x3  }
0x22: {  	[dreg:$0x12] =	wrdreg s26;
	s26 =	sshrl.u32 s20, $0x3;
	s30 =	sadd.s32 $0x1000, s15  }
0x23: {  	s31 =	sadd.s32 $0x2000, s15;
	s10 =	sadd.s32 $0x3000, s15;
	s2 =	sadd.s32 $0x5000, s15  }
0x24: {  	s3 =	sadd.s32 $0x6000, s15;
	s4 =	sadd.s32 $0x7000, s15;
	[dreg:$0xe] =	wrdreg s0  }
0x25: {  	s5 =	sadd.s32 $0x8000, s15;
	s6 =	sadd.s32 $0x9000, s15;
	[dreg:$0xf] =	wrdreg s23  }
0x26: {  	s7 =	simm.s32 $0x2100;
	s8 =	simm.s32 $0x2;
	[dreg:$0x10] =	wrdreg s24  }
0x27: {  	[dreg:$0x11] =	wrdreg s25;
	s24 =	sshrl.u32 s13, $0x3;
	s25 =	sshrl.u32 s16, $0x3  }
0x28: {  	v0 =	vimm.f32 $0.0e+00;
	s0 =	sadd.s32 $0x4000, s15;
	s13 =	simm.s32 $0x1;
	s16 =	simm.s32 $0x0  }
.LBB2_1:
0x29: {  	s20 =	simm.s32 $0x100;
	s19 =	simm.s32 $0x0  }
.LBB2_2:
0x2a: {  	p0 =	sne.s32 s20, $0x3F00;
	[tilespmem:s19+$0x2130] =	vst v0;
	s21 =	smov.u32 s20;
	s20 =	sadd.s32 $0x100, s20  }
.Ltmp0:
0x2b: {  	[tilespmem:s19+$0x2120] =	vst v0;
	(pc) =	sbr.rel @p0 .LBB2_2-.Ltmp0, $3  }
0x2c: {  	[tilespmem:s19+$0x2100] =	vst v0  }
0x2d: {  	[tilespmem:s19+$0x2110] =	vst v0;
	_ =	sdelay $0x1  }
0x2e: {  	s19 =	sshra.s32 s21, $0x2  }
0x2f: {  	[tilespmem:s19+$0x2130] =	vst v0  }
0x30: {  	[tilespmem:s19+$0x2120] =	vst v0  }
0x31: {  	[tilespmem:s19+$0x2100] =	vst v0  }
0x32: {  	[tilespmem:s19+$0x2110] =	vst v0  }
0x33: {  	[spmem:s15] =	stream.linear.scatter [tilespmem:s7], [sflag:$0x2], $0x1000, $0x38;
	[tilespmem:$0xD100] =	vst v63  }
0x34: {  	_ =	swait.ge [sflag:s8], $0x1000  }
0x35: {  	[sflag:s8] =	ssyncset.done $0x0  }
0x36: {  	[sflag:s8] =	ssyncadd.s32 $0xFFFFF000  }
0x37: {  	[spmem:s30] =	stream.linear.scatter [tilespmem:s7], [sflag:$0x2], $0x1000, $0x38;
	[tilespmem:$0xD100] =	vst v63  }
0x38: {  	_ =	swait.ge [sflag:s8], $0x1000  }
0x39: {  	[sflag:s8] =	ssyncset.done $0x0  }
0x3a: {  	[sflag:s8] =	ssyncadd.s32 $0xFFFFF000  }
0x3b: {  	[spmem:s31] =	stream.linear.scatter [tilespmem:s7], [sflag:$0x2], $0x1000, $0x38;
	[tilespmem:$0xD100] =	vst v63  }
0x3c: {  	_ =	swait.ge [sflag:s8], $0x1000  }
0x3d: {  	[sflag:s8] =	ssyncset.done $0x0  }
0x3e: {  	[sflag:s8] =	ssyncadd.s32 $0xFFFFF000  }
0x3f: {  	[spmem:s10] =	stream.linear.scatter [tilespmem:s7], [sflag:$0x2], $0x1000, $0x38;
	[tilespmem:$0xD100] =	vst v63  }
0x40: {  	_ =	swait.ge [sflag:s8], $0x1000  }
0x41: {  	[sflag:s8] =	ssyncset.done $0x0  }
0x42: {  	[sflag:s8] =	ssyncadd.s32 $0xFFFFF000  }
0x43: {  	[spmem:s0] =	stream.linear.scatter [tilespmem:s7], [sflag:$0x2], $0x1000, $0x38;
	[tilespmem:$0xD100] =	vst v63  }
0x44: {  	_ =	swait.ge [sflag:s8], $0x1000  }
0x45: {  	[sflag:s8] =	ssyncset.done $0x0  }
0x46: {  	[sflag:s8] =	ssyncadd.s32 $0xFFFFF000  }
0x47: {  	[spmem:s2] =	stream.linear.scatter [tilespmem:s7], [sflag:$0x2], $0x1000, $0x38;
	[tilespmem:$0xD100] =	vst v63  }
0x48: {  	_ =	swait.ge [sflag:s8], $0x1000  }
0x49: {  	[sflag:s8] =	ssyncset.done $0x0  }
0x4a: {  	[sflag:s8] =	ssyncadd.s32 $0xFFFFF000  }
0x4b: {  	[spmem:s3] =	stream.linear.scatter [tilespmem:s7], [sflag:$0x2], $0x1000, $0x38;
	[tilespmem:$0xD100] =	vst v63  }
0x4c: {  	_ =	swait.ge [sflag:s8], $0x1000  }
0x4d: {  	[sflag:s8] =	ssyncset.done $0x0  }
0x4e: {  	[sflag:s8] =	ssyncadd.s32 $0xFFFFF000  }
0x4f: {  	[spmem:s4] =	stream.linear.scatter [tilespmem:s7], [sflag:$0x2], $0x1000, $0x38;
	[tilespmem:$0xD100] =	vst v63  }
0x50: {  	_ =	swait.ge [sflag:s8], $0x1000  }
0x51: {  	[sflag:s8] =	ssyncset.done $0x0  }
0x52: {  	[sflag:s8] =	ssyncadd.s32 $0xFFFFF000  }
0x53: {  	[spmem:s5] =	stream.linear.scatter [tilespmem:s7], [sflag:$0x2], $0x1000, $0x38;
	[tilespmem:$0xD100] =	vst v63  }
0x54: {  	_ =	swait.ge [sflag:s8], $0x1000  }
0x55: {  	[sflag:s8] =	ssyncset.done $0x0  }
0x56: {  	[sflag:s8] =	ssyncadd.s32 $0xFFFFF000  }
0x57: {  	[spmem:s6] =	stream.linear.scatter [tilespmem:s7], [sflag:$0x2], $0x1000, $0x38;
	[tilespmem:$0xD100] =	vst v63  }
0x58: {  	_ =	swait.ge [sflag:s8], $0x1000  }
0x59: {  	[sflag:s8] =	ssyncset.done $0x0  }
0x5a: {  	[sflag:s8] =	ssyncadd.s32 $0xFFFFF000  }
0x5b: {  	s22 =	sadd.s32 $0x0, s18;
	[bflag:$0x0] =	sbarrier.arrive $0xFFFF  }
0x5c: {  	[tilespmem:s1], [sflag:$0x2] =	stream.linear.gather [hbm4b:s22+s1], $0x80, $0x38;
	[tilespmem:$0xD100] =	vst v63  }
0x5d: {  	_ =	swait.ge [sflag:s8], $0x80  }
0x5e: {  	[sflag:s8] =	ssyncset.done $0x0  }
0x5f: {  	s23 =	sadd.s32 $0x0, s17;
	[sflag:s8] =	ssyncadd.s32 $0xFFFFFF80  }
0x60: {  	[tilespmem:s9], [sflag:$0x2] =	stream.linear.gather [hbm4b:s23+s1], $0x80, $0x38;
	[tilespmem:$0xD100] =	vst v63  }
0x61: {  	_ =	swait.ge [sflag:s8], $0x80  }
0x62: {  	[sflag:s8] =	ssyncset.done $0x0  }
0x63: {  	[sflag:s8] =	ssyncadd.s32 $0xFFFFFF80  }
0x64: {  	[tilespmem:s11], [sflag:$0x1] =	stream.indirect.gather [hbm4b:s14+s9], $0x40, s1, s9, $0xb8;
	[tilespmem:$0xD100] =	vst v63  }
0x65: {  	_ =	swait.ge [sflag:s13], $0x2000  }
0x66: {  	[sflag:s13] =	ssyncset.done $0x0  }
0x67: {  	[sflag:s13] =	ssyncadd.s32 $0xFFFFE000  }
0x68: {  	[spmem:s12] =	stream.indirect.scatter.add.f32 [tilespmem:s11], [sflag:$0x2], $0x40, s9, s9, $0xb8;
	[tilespmem:$0xD100] =	vst v63  }
0x69: {  	_ =	swait.ge [sflag:s8], $0x2000  }
0x6a: {  	s19 =	simm.s32 $0x10;
	s20 =	simm.s32 $0x20;
	[sflag:s8] =	ssyncset.done $0x0  }
.LBB2_4:
0x6b: {  	s21 =	sadd.s32 s19, s18  }
0x6c: {  	[sflag:s8] =	ssyncadd.s32 $0xFFFFE000;
	s22 =	smov.u32 s20;
	s23 =	sadd.s32 $0x10, s20  }
0x6d: {  	[tilespmem:s1], [sflag:$0x2] =	stream.linear.gather [hbm4b:s21+s1], $0x80, $0x38;
	[tilespmem:$0xD100] =	vst v63  }
0x6e: {  	p0 =	sne.s32 s20, $0x4E0;
	_ =	swait.ge [sflag:s8], $0x80  }
0x6f: {  	[sflag:s8] =	ssyncset.done $0x0  }
0x70: {  	s20 =	sadd.s32 s19, s17;
	s19 =	smov.u32 s22;
	[sflag:s8] =	ssyncadd.s32 $0xFFFFFF80  }
0x71: {  	[tilespmem:s9], [sflag:$0x2] =	stream.linear.gather [hbm4b:s20+s1], $0x80, $0x38;
	[tilespmem:$0xD100] =	vst v63  }
0x72: {  	_ =	swait.ge [sflag:s8], $0x80  }
0x73: {  	[sflag:s8] =	ssyncset.done $0x0  }
0x74: {  	[sflag:s8] =	ssyncadd.s32 $0xFFFFFF80  }
0x75: {  	[tilespmem:s11], [sflag:$0x1] =	stream.indirect.gather [hbm4b:s14+s9], $0x40, s1, s9, $0xb8;
	[tilespmem:$0xD100] =	vst v63  }
0x76: {  	_ =	swait.ge [sflag:s13], $0x2000  }
.Ltmp1:
0x77: {  	[sflag:s13] =	ssyncset.done $0x0;
	(pc) =	sbr.rel @p0 .LBB2_4-.Ltmp1, $4  }
0x78: {  	[sflag:s13] =	ssyncadd.s32 $0xFFFFE000  }
0x79: {  	[spmem:s12] =	stream.indirect.scatter.add.f32 [tilespmem:s11], [sflag:$0x2], $0x40, s9, s9, $0xb8;
	[tilespmem:$0xD100] =	vst v63  }
0x7a: {  	_ =	swait.ge [sflag:s8], $0x2000  }
0x7b: {  	s20 =	smov.u32 s23;
	[sflag:s8] =	ssyncset.done $0x0  }
0x7c: {  	s20 =	sadd.s32 s19, s18;
	[sflag:s8] =	ssyncadd.s32 $0xFFFFE000  }
0x7d: {  	[tilespmem:s1], [sflag:$0x2] =	stream.linear.gather [hbm4b:s20+s1], $0x80, $0x38;
	[tilespmem:$0xD100] =	vst v63  }
0x7e: {  	_ =	swait.ge [sflag:s8], $0x80  }
0x7f: {  	[sflag:s8] =	ssyncset.done $0x0  }
0x80: {  	s21 =	sadd.s32 s19, s17;
	[sflag:s8] =	ssyncadd.s32 $0xFFFFFF80  }
0x81: {  	[tilespmem:s9], [sflag:$0x2] =	stream.linear.gather [hbm4b:s21+s1], $0x80, $0x38;
	[tilespmem:$0xD100] =	vst v63  }
0x82: {  	_ =	swait.ge [sflag:s8], $0x80  }
0x83: {  	[sflag:s8] =	ssyncset.done $0x0  }
0x84: {  	[sflag:s8] =	ssyncadd.s32 $0xFFFFFF80  }
0x85: {  	[tilespmem:s11], [sflag:$0x1] =	stream.indirect.gather [hbm4b:s14+s9], $0x40, s1, s9, $0xb8;
	[tilespmem:$0xD100] =	vst v63  }
0x86: {  	_ =	swait.ge [sflag:s13], $0x2000  }
0x87: {  	[sflag:s13] =	ssyncset.done $0x0  }
0x88: {  	[sflag:s13] =	ssyncadd.s32 $0xFFFFE000  }
0x89: {  	[spmem:s12] =	stream.indirect.scatter.add.f32 [tilespmem:s11], [sflag:$0x2], $0x40, s9, s9, $0xb8;
	[tilespmem:$0xD100] =	vst v63  }
0x8a: {  	_ =	swait.ge [sflag:s8], $0x2000  }
0x8b: {  	[sflag:s8] =	ssyncset.done $0x0  }
0x8c: {  	[sflag:s8] =	ssyncadd.s32 $0xFFFFE000  }
0x8d: {  	s22 =	stileid.u32;
	[bflag:$0x0] =	sbarrier.arrive $0xFFFF  }
0x8e: {  	s19 =	sshll.u32 s22, $0x6;
	s23 =	rddreg [dreg:$0x3]  }
0x8f: {  	s19 =	sor.u32 $0x1C02, s19;
	s21 =	rddreg [dreg:$0xe]  }
0x90: {  	[hbm:s23], [sflag:s19] =	dma.local [spmem:s21], $0x200  }
0x91: {  	_ =	swait.ge [sflag:s8], $0x200  }
0x92: {  	[sflag:s8] =	ssyncset.done $0x0;
	s22 =	rddreg [dreg:$0x4]  }
0x93: {  	s23 =	rddreg [dreg:$0xf];
	[sflag:s8] =	ssyncadd.s32 $0xFFFFFE00  }
0x94: {  	[hbm:s22], [sflag:s19] =	dma.local [spmem:s23], $0x200  }
0x95: {  	_ =	swait.ge [sflag:s8], $0x200  }
0x96: {  	[sflag:s8] =	ssyncset.done $0x0;
	s22 =	rddreg [dreg:$0x5]  }
0x97: {  	s23 =	rddreg [dreg:$0x10];
	[sflag:s8] =	ssyncadd.s32 $0xFFFFFE00  }
0x98: {  	[hbm:s22], [sflag:s19] =	dma.local [spmem:s23], $0x200  }
0x99: {  	_ =	swait.ge [sflag:s8], $0x200  }
0x9a: {  	[sflag:s8] =	ssyncset.done $0x0;
	s22 =	rddreg [dreg:$0x6]  }
0x9b: {  	s23 =	rddreg [dreg:$0x11];
	[sflag:s8] =	ssyncadd.s32 $0xFFFFFE00  }
0x9c: {  	[hbm:s22], [sflag:s19] =	dma.local [spmem:s23], $0x200  }
0x9d: {  	_ =	swait.ge [sflag:s8], $0x200  }
0x9e: {  	[sflag:s8] =	ssyncset.done $0x0;
	s22 =	rddreg [dreg:$0x7]  }
0x9f: {  	s23 =	rddreg [dreg:$0x12];
	[sflag:s8] =	ssyncadd.s32 $0xFFFFFE00  }
0xa0: {  	[hbm:s22], [sflag:s19] =	dma.local [spmem:s23], $0x200  }
0xa1: {  	_ =	swait.ge [sflag:s8], $0x200  }
0xa2: {  	[sflag:s8] =	ssyncset.done $0x0  }
0xa3: {  	s21 =	rddreg [dreg:$0x8];
	[sflag:s8] =	ssyncadd.s32 $0xFFFFFE00  }
0xa4: {  	[hbm:s21], [sflag:s19] =	dma.local [spmem:s24], $0x200  }
0xa5: {  	_ =	swait.ge [sflag:s8], $0x200  }
0xa6: {  	[sflag:s8] =	ssyncset.done $0x0  }
0xa7: {  	s22 =	rddreg [dreg:$0x9];
	[sflag:s8] =	ssyncadd.s32 $0xFFFFFE00  }
0xa8: {  	[hbm:s22], [sflag:s19] =	dma.local [spmem:s25], $0x200  }
0xa9: {  	_ =	swait.ge [sflag:s8], $0x200  }
0xaa: {  	[sflag:s8] =	ssyncset.done $0x0  }
0xab: {  	s23 =	rddreg [dreg:$0xa];
	[sflag:s8] =	ssyncadd.s32 $0xFFFFFE00  }
0xac: {  	[hbm:s23], [sflag:s19] =	dma.local [spmem:s26], $0x200  }
0xad: {  	_ =	swait.ge [sflag:s8], $0x200  }
0xae: {  	[sflag:s8] =	ssyncset.done $0x0  }
0xaf: {  	s21 =	rddreg [dreg:$0xb];
	[sflag:s8] =	ssyncadd.s32 $0xFFFFFE00  }
0xb0: {  	[hbm:s21], [sflag:s19] =	dma.local [spmem:s28], $0x200  }
0xb1: {  	_ =	swait.ge [sflag:s8], $0x200  }
0xb2: {  	[sflag:s8] =	ssyncset.done $0x0  }
0xb3: {  	s22 =	rddreg [dreg:$0xc];
	[sflag:s8] =	ssyncadd.s32 $0xFFFFFE00  }
0xb4: {  	[hbm:s22], [sflag:s19] =	dma.local [spmem:s29], $0x200  }
0xb5: {  	_ =	swait.ge [sflag:s8], $0x200  }
0xb6: {  	s16 =	sadd.s32 $0x1, s16;
	s23 =	rddreg [dreg:$0xd]  }
0xb7: {  	p0 =	sne.s32 s16, s23  }
.Ltmp2:
0xb8: {  	_ = 	snop;
	(pc) =	sbr.rel @p0 .LBB2_1-.Ltmp2, $3  }
0xb9: {  	_ =	sdelay $0x1  }
0xba: {  	[sflag:s8] =	ssyncset.done $0x0  }
0xbb: {  	[sflag:s8] =	ssyncadd.s32 $0xFFFFFE00  }
0xbc: {  	_ =	sfence.sel $0x180000  }
0xbd: {  	[bflag:$0x0] =	sbarrier.arrive $0xFFFF  }
0xbe: {  	_ =	strace $0x9000004A  }
0xbf: {  	s0 =	stileid.u32;
	[bflag:$0x2] =	sbarrier.arrive $0xFFFF  }
0xc0: {  	p0 =	sne.s32 s0, $0x0;
	s0 =	rddreg [dreg:$0x2]  }
0xc1: {  	s0 =	sadd.s32 @!p0 $0x100000, s0  }
0xc2: {  	[sflag:s0] =	ssyncadd.tile.s32 @!p0 $0x1;
	_ =	shalt  }
.Lfunc_end2:
_tile_overlayer_lowered:
.L_overlay_start_2:
0xc3: {  	(tag) =	ssettag $0x2  }
0xc4: {  	s0 =	rddreg [dreg:$0x0];
	s2 =	stileid.u32  }
0xc5: {  	s1 =	rddreg [dreg:$0x1];
	p0 =	sne.s32 s2, $0x0  }
0xc6: {  	s3 =	rddreg [dreg:$0x2];
	[bflag:$0x3] =	sbarrier.arrive $0xFFFF;
	s2 =	simm.s32 @!p0 $0x1C02  }
0xc7: {  	[timem:s3], [sflag:s2] =	dma.local @!p0 [hbm:s0], s1  }
0xc8: {  	s0 =	simm.s32 @!p0 $0x2  }
0xc9: {  	_ =	swait.ge @!p0 [sflag:s0], s1  }
0xca: {  	s1 =	ssub.s32 @!p0 $0x0, s1;
	[sflag:s0] =	ssyncset.done @!p0 $0x0  }
0xcb: {  	[sflag:s0] =	ssyncadd.s32 @!p0 s1  }
0xcc: {  	[bflag:$0x3] =	sbarrier.arrive $0xFFFF  }
0xcd: {  	_ =	shalt  }

// kernel: kernel.15.cloned.1.call-start
scs
__scs_entry_jumppad:
0x0: {  	(pc) =	sbr.rel $0x88, $3  }
0x1: {  	(tag) =	ssettag $0x0;
	lr =	simm.s32 $0x1  }
0x2: {  	[smem:$0x3F94] =	sst lr;
	_ =	strace $0xD0000000  }
0x3: {  	_ = 	snop  }
0x4: {  	_ = 	snop  }
0x5: {  	_ = 	snop  }
0x6: {  	_ = 	snop  }
0x7: {  	_ = 	snop  }
__scs_overlays_trampoline_lowered:
0x8: {  	[smem:$0x3FA3] =	sst s0  }
0x9: {  	[smem:$0x3FA4] =	sst s1  }
0xa: {  	[smem:$0x3FA5] =	sst s2  }
0xb: {  	[smem:$0x3FA6] =	sst s3  }
0xc: {  	[smem:$0x3FA7] =	sst s4  }
0xd: {  	[smem:$0x3FA8] =	sst s5  }
0xe: {  	[smem:$0x3FA9] =	sst s6  }
0xf: {  	[smem:$0x3FAA] =	sst s7  }
0x10: {  	[smem:$0x3FAB] =	sst s8  }
0x11: {  	[smem:$0x3FAC] =	sst s9;
	s0 =	simm.s32 @!p0 $0x0  }
0x12: {  	s1 =	sld [smem:$0x3F92];
	s0 =	simm.s32 @p0 $0x1  }
0x13: {  	[smem:$0x3FAD] =	sst s0;
	s0 =	simm.s32 @!p1 $0x0  }
0x14: {  	s2 =	sld [smem:$0x3F91];
	s0 =	simm.s32 @p1 $0x1  }
0x15: {  	[smem:$0x3FAE] =	sst s0;
	s0 =	simm.s32 @!p2 $0x0  }
0x16: {  	s3 =	sld [smem:$0x3FDB];
	s0 =	simm.s32 @p2 $0x1  }
0x17: {  	s4 =	simm.s32 $0x1BF5;
	[smem:$0x3FB0] =	sst s0  }
0x18: {  	s0 =	sld [smem:$0x3F93];
	_ =	swait.ge [sflag:s4], $0x0  }
0x19: {  	s7 =	sld [smem:$0x3F94]  }
0x1a: {  	s8 =	sadd.s32 $0xFFFFE003, lr  }
0x1b: {  	s9 =	sadd.s32 $0xFFFFFEF7, lr;
	s5 =	simm.s32 $0xFFFFFFFF;
	p2 =	slt.u32 s8, $0xFFFFF086  }
0x1c: {  	p1 =	slt.u32 s9, $0xF7A;
	s5 =	simm.s32 @!p2 $0x0  }
0x1d: {  	s5 =	simm.s32 @p1 $0x1;
	p0 =	seq.s32 s7, s2  }
0x1e: {  	s7 =	smul.u32 @!p0 $0xF7A, s2;
	p2 =	seq.s32 @!p0 s5, $0x0  }
0x1f: {  	s9 =	smul.u32 $0xF7A, s1;
	s8 =	simm.s32 @!p0 $0x1BF5;
	p2 =	por !p2, p0  }
0x20: {  	[sflag:s8] =	ssyncset.s32 @!p0 $0xFFFFF086;
	s6 =	sadd.s32 @!p0 s3, s7;
	s7 =	simm.s32 @!p0 $0x108  }
0x21: {  	s3 =	sadd.s32 s3, s9;
	s6 =	sadd.s32 @!p0 $0x88, s6;
	s7 =	simm.s32 @p2 $0x1082  }
0x22: {  	[simem:s7], [sflag:s8] =	dma.local @!p0 [hbm:s6], $0xF7A  }
0x23: {  	s9 =	sor.u32 $0xD0000000, s2;
	s6 =	simm.s32 $0x108;
	_ =	swait.ge @!p0 [sflag:s8], $0x0  }
0x24: {  	s3 =	sadd.s32 $0x88, s3;
	s6 =	simm.s32 @!p1 $0x1082;
	[sflag:s4] =	ssyncset.s32 $0xFFFFF086  }
0x25: {  	[simem:s6], [sflag:s4] =	dma.local [hbm:s3], $0xF7A  }
0x26: {  	[smem:$0x3F94] =	sst s1;
	(tag) =	ssettag s2;
	_ =	strace s9  }
0x27: {  	s1 =	sld [smem:$0x3FA4]  }
0x28: {  	s2 =	sld [smem:$0x3FA5]  }
0x29: {  	s4 =	sld [smem:$0x3FA7]  }
0x2a: {  	p0 =	seq.s32 s5, $0x0;
	s5 =	sld [smem:$0x3FA8]  }
0x2b: {  	s6 =	sld [smem:$0x3FA9]  }
0x2c: {  	s7 =	sld [smem:$0x3FAA]  }
0x2d: {  	s3 =	simm.s32 $0x108;
	s8 =	sld [smem:$0x3FAB]  }
0x2e: {  	s3 =	simm.s32 @!p0 $0x1082;
	s9 =	sld [smem:$0x3FAC]  }
0x2f: {  	lr =	sadd.s32 s0, s3;
	s0 =	sld [smem:$0x3FA3]  }
0x30: {  	s3 =	sld [smem:$0x3FA6]  }
0x31: {  	[smem:$0x3FAF] =	sst s10  }
0x32: {  	s10 =	sld [smem:$0x3FAD];
	_ =	sdelay $0x3  }
0x33: {  	p0 =	seq.s32 s10, $0x1;
	s10 =	sld [smem:$0x3FAF];
	_ =	sdelay $0x3  }
0x34: {  	[smem:$0x3FAF] =	sst s10  }
0x35: {  	s10 =	sld [smem:$0x3FAE];
	_ =	sdelay $0x3  }
0x36: {  	p1 =	seq.s32 s10, $0x1;
	s10 =	sld [smem:$0x3FAF];
	_ =	sdelay $0x3  }
0x37: {  	[smem:$0x3FAF] =	sst s10  }
0x38: {  	s10 =	sld [smem:$0x3FB0]  }
0x39: {  	_ = 	snop;
	(pc) =	sbr.ind lr, $3  }
0x3a: {  	_ = 	snop  }
0x3b: {  	_ = 	snop  }
0x3c: {  	p2 =	seq.s32 s10, $0x1;
	s10 =	sld [smem:$0x3FAF]  }
0x3d: {  	_ =	shalt  }
0x3e: {  	_ =	shalt  }
0x3f: {  	_ =	shalt  }
0x40: {  	_ =	shalt  }
0x41: {  	_ =	shalt  }
0x42: {  	_ =	shalt  }
0x43: {  	_ =	shalt  }
0x44: {  	_ =	shalt  }
0x45: {  	_ =	shalt  }
0x46: {  	_ =	shalt  }
0x47: {  	_ =	shalt  }
0x48: {  	_ =	shalt  }
0x49: {  	_ =	shalt  }
0x4a: {  	_ =	shalt  }
0x4b: {  	_ =	shalt  }
0x4c: {  	_ =	shalt  }
0x4d: {  	_ =	shalt  }
0x4e: {  	_ =	shalt  }
0x4f: {  	_ =	shalt  }
0x50: {  	_ =	shalt  }
0x51: {  	_ =	shalt  }
0x52: {  	_ =	shalt  }
0x53: {  	_ =	shalt  }
0x54: {  	_ =	shalt  }
0x55: {  	_ =	shalt  }
0x56: {  	_ =	shalt  }
0x57: {  	_ =	shalt  }
0x58: {  	_ =	shalt  }
0x59: {  	_ =	shalt  }
0x5a: {  	_ =	shalt  }
0x5b: {  	_ =	shalt  }
0x5c: {  	_ =	shalt  }
0x5d: {  	_ =	shalt  }
0x5e: {  	_ =	shalt  }
0x5f: {  	_ =	shalt  }
0x60: {  	_ =	shalt  }
0x61: {  	_ =	shalt  }
0x62: {  	_ =	shalt  }
0x63: {  	_ =	shalt  }
0x64: {  	_ =	shalt  }
0x65: {  	_ =	shalt  }
0x66: {  	_ =	shalt  }
0x67: {  	_ =	shalt  }
0x68: {  	_ =	shalt  }
0x69: {  	_ =	shalt  }
0x6a: {  	_ =	shalt  }
0x6b: {  	_ =	shalt  }
0x6c: {  	_ =	shalt  }
0x6d: {  	_ =	shalt  }
0x6e: {  	_ =	shalt  }
0x6f: {  	_ =	shalt  }
0x70: {  	_ =	shalt  }
0x71: {  	_ =	shalt  }
0x72: {  	_ =	shalt  }
0x73: {  	_ =	shalt  }
0x74: {  	_ =	shalt  }
0x75: {  	_ =	shalt  }
0x76: {  	_ =	shalt  }
0x77: {  	_ =	shalt  }
0x78: {  	_ =	shalt  }
0x79: {  	_ =	shalt  }
0x7a: {  	_ =	shalt  }
0x7b: {  	_ =	shalt  }
0x7c: {  	_ =	shalt  }
0x7d: {  	_ =	shalt  }
0x7e: {  	_ =	shalt  }
0x7f: {  	_ =	shalt  }
0x80: {  	_ =	shalt  }
0x81: {  	_ =	shalt  }
0x82: {  	_ =	shalt  }
0x83: {  	_ =	shalt  }
0x84: {  	_ =	shalt  }
0x85: {  	_ =	shalt  }
0x86: {  	_ =	shalt  }
0x87: {  	_ =	shalt  }
.Lfunc_end0:
.L_simem_size_0:
called_computation.2_lowered:
.L_overlay_start_0:
0x88: {  	s2 =	sld [smem:$0x3FD9]  }
0x89: {  	s3 =	sld [smem:$0x3FFE];
	_ =	sdelay $0x1  }
0x8a: {  	s1 =	srdreg.scid  }
0x8b: {  	s0 =	sand.u32 $0x1, s1  }
0x8c: {  	s16 =	sshll.u32 s0, $0xA;
	s2 =	sadd.s32 s3, s2  }
0x8d: {  	s2 =	sadd.s32 s2, s16  }
0x8e: {  	[smem:$0x3FBB] =	sst s2  }
0x8f: {  	_ = 	snop  }
0x90: {  	(tm) =	ssettm $0x1  }
0x91: {  	s17 =	sld [smem:$0x3FFB];
	_ =	sdelay $0x3  }
0x92: {  	_ =	strace s17  }
0x93: {  	s2 =	sld [smem:$0x3FFC];
	_ =	sdelay $0x3  }
0x94: {  	_ =	strace s2  }
0x95: {  	s2 =	sld [smem:$0x3FFD];
	_ =	sdelay $0x3  }
0x96: {  	_ =	strace s2  }
0x97: {  	_ =	strace $0x8FFFFFFF  }
0x98: {  	s18 =	sld [smem:$0x3FDB];
	_ =	sdelay $0x1  }
0x99: {  	s19 =	simm.s32 $_scs_section_size  }
0x9a: {  	s4 =	simm.s32 $_size__tile_overlayer_lowered;
	s5 =	simm.s32 $_tile_overlayer_lowered  }
0x9b: {  	s22 =	simm.s32 $0x1BFF;
	s21 =	sshll.u32 s5, $0x1;
	s2 =	sadd.s32 s19, s18  }
0x9c: {  	s6 =	simm.s32 $0x0;
	s20 =	sshll.u32 s4, $0x1;
	s4 =	sadd.s32 s21, s2  }
0x9d: {  	[timem:s6], [sflag:s22] =	dma.local [hbm:s4], s20  }
0x9e: {  	_ =	swait.ge [sflag:s22], s20  }
0x9f: {  	s3 =	ssub.s32 $0x0, s20;
	[sflag:s22] =	ssyncset.done $0x0  }
0xa0: {  	[sflag:s22] =	ssyncadd.s32 s3;
	_ =	sdelay $0x1  }
0xa1: {  	s23 =	simm.s32 $0x1B8B  }
0xa2: {  	_ =	swait.ge [sflag:s23], $0x1  }
0xa3: {  	[sflag:s23] =	ssyncset.done $0x0  }
0xa4: {  	s25 =	simm.s32 $0x1B8E;
	s24 =	sld [smem:$0x3FFE];
	[sflag:s23] =	ssyncadd.s32 $0xFFFFFFFF  }
0xa5: {  	s26 =	simm.s32 $execute0_lowered;
	[smem:$0x3FD2] =	sst s25  }
0xa6: {  	s4 =	sshll.u32 s26, $0x1;
	_ =	strace $0x8000004C;
	[dreg:$0x1] =	wrdreg $0xFFFFFFFF  }
0xa7: {  	s28 =	simm.s32 $_size_execute0_lowered;
	s2 =	sadd.s32 s2, s4;
	[dreg:$0x0] =	wrdreg $0x0  }
0xa8: {  	s4 =	sshll.u32 s28, $0x1;
	[dreg:$0x2] =	wrdreg s2  }
0xa9: {  	[dreg:$0x3] =	wrdreg s4  }
0xaa: {  	[dreg:$0x4] =	wrdreg $0xC0  }
0xab: {  	_ =	task [dreg:s6], $0x5FFFF  }
0xac: {  	[dreg:$0x1] =	wrdreg $0xFFFFFFFF  }
0xad: {  	[dreg:$0x0] =	wrdreg $0x60  }
0xae: {  	[dreg:$0x2] =	wrdreg s24  }
0xaf: {  	[dreg:$0x3] =	wrdreg $0x51000  }
0xb0: {  	[dreg:$0x4] =	wrdreg $0x9  }
0xb1: {  	_ =	task.clear_ibuf [dreg:s6], $0x5FFFF;
	_ =	strace $0x9000004C  }
0xb2: {  	s29 =	simm.s32 $0x9;
	_ =	strace $0x8000004E  }
0xb3: {  	_ =	swait.ge [sflag:s29], $0x1  }
0xb4: {  	[sflag:s29] =	ssyncadd.s32 $0xFFFFFFFF  }
0xb5: {  	_ =	strace $0x9000004E  }
0xb6: {  	_ =	sfence  }
0xb7: {  	s30 =	sld [smem:$0x0];
	_ =	sdelay $0x2  }
0xb8: {  	s31 =	sshll.u32 s1, $0xD;
	s1 =	sshrl.u32 s1, $0x2  }
0xb9: {  	s3 =	sand.u32 $0x4000, s31;
	s1 =	sadd.s32 s1, s30  }
0xba: {  	s0 =	sor.u32 s3, s0;
	s1 =	sshll.u32 s1, $0x11  }
0xbb: {  	s0 =	sor.u32 s1, s0  }
0xbc: {  	s0 =	sadd.s32 $0x8F2B, s0  }
0xbd: {  	[sflag:s0] =	ssyncadd.remote.s32 $0x1  }
0xbe: {  	_ =	sfence.sel $0xFFFF  }
0xbf: {  	[dreg:$0x0] =	wrdreg $0xFFFFFFFF;
	(pc) =	sbr.abs _section_cstart, $3  }
0xc0: {  	[dreg:$0x1] =	wrdreg $0xFFFFFFFF  }
0xc1: {  	_ =	task.clear_ibuf [dreg:s6], $0x2FFFF;
	_ =	strace $0x9FFFFFFF  }
0xc2: {  	(tm) =	ssettm $0x7FFFFFFF  }
0xc3: {  	_ =	shalt  }
tec
execute0_lowered:
.L_overlay_start_1:
0x0: {  	(tag) =	ssettag $0x1  }
0x1: {  	s0 =	srdreg.scid;
	s7 =	stileid.u32  }
0x2: {  	s1 =	rddreg [dreg:$0x0];
	s5 =	smul.u32 $0x2780, s7  }
0x3: {  	s2 =	rddreg [dreg:$0x1];
	s3 =	simm.s32 $0x0;
	s19 =	smul.u32 $0x14000, s7  }
0x4: {  	s30 =	simm.s32 $0x4100;
	s0 =	sand.u32 $0x1, s0;
	s7 =	smul.u32 $0x50000, s7  }
0x5: {  	s31 =	simm.s32 $0x2;
	[smem:$0x7FF] =	sst s3;
	s4 =	smul.u32 $0x27800, s0  }
0x6: {  	s6 =	smul.u32 $0x140000, s0;
	_ =	strace $0x8000004D;
	s0 =	ssub.s32 $0x2, s0  }
0x7: {  	s20 =	sshrl.u32 s0, $0x1;
	s7 =	sshrl.u32 s7, $0x2;
	s4 =	sadd.s32 s5, s4  }
0x8: {  	s5 =	sadd.s32 s19, s6;
	s0 =	ssub.s32 s0, s20;
	s6 =	simm.s32 $0x1  }
0x9: {  	s4 =	sshrl.u32 s4, $0x3;
	s9 =	sshrl.u32 s5, $0x3;
	s5 =	sadd.s32 s7, s2  }
0xa: {  	s0 =	smax.u32 s0, $0x1;
	s8 =	sadd.s32 s4, s1;
	s4 =	sadd.s32 $0xD200, s1  }
0xb: {  	s1 =	sadd.s32 s9, s1;
	[dreg:$0x3] =	wrdreg s0;
	s11 =	sadd.s32 $0x1000, s5  }
0xc: {  	s21 =	sadd.s32 $0x2000, s5;
	s22 =	sadd.s32 $0x3000, s5;
	s23 =	sadd.s32 $0x4000, s5  }
0xd: {  	s24 =	sadd.s32 $0x5000, s5;
	s25 =	sadd.s32 $0x6000, s5;
	s26 =	sadd.s32 $0x7000, s5  }
0xe: {  	s14 =	sadd.s32 $0x8000, s5;
	s15 =	sadd.s32 $0x9000, s5;
	[dreg:$0x4] =	wrdreg s21  }
0xf: {  	s16 =	sadd.s32 $0xA000, s5;
	s17 =	sadd.s32 $0xB000, s5;
	[dreg:$0x5] =	wrdreg s22  }
0x10: {  	s18 =	sadd.s32 $0xC000, s5;
	s19 =	sadd.s32 $0xD000, s5;
	[dreg:$0x6] =	wrdreg s23  }
0x11: {  	s20 =	sadd.s32 $0xE000, s5;
	s28 =	sadd.s32 $0x12000, s5;
	[dreg:$0x7] =	wrdreg s24  }
0x12: {  	s29 =	sadd.s32 $0x13000, s5;
	s0 =	simm.s32 $0x100;
	[dreg:$0x8] =	wrdreg s25  }
0x13: {  	[dreg:$0x9] =	wrdreg s26;
	s21 =	sadd.s32 $0xF000, s5;
	s22 =	sadd.s32 $0x10000, s5  }
0x14: {  	s23 =	sadd.s32 $0xA0E00, s8;
	s24 =	sadd.s32 $0x3400, s8;
	s25 =	sadd.s32 $0xAAC00, s1  }
0x15: {  	v0 =	vimm.f32 $0.0e+00;
	s26 =	sadd.s32 $0x11000, s5;
	s1 =	simm.s32 $0x80;
	s8 =	simm.s32 $0x0  }
.LBB2_1:
0x16: {  	s9 =	simm.s32 $0x0;
	s10 =	simm.s32 $0x200  }
.LBB2_2:
0x17: {  	p0 =	sne.s32 s10, $0x3E00;
	[tilespmem:s9+$0x4170] =	vst v0  }
0x18: {  	[tilespmem:s9+$0x4100] =	vst v0  }
0x19: {  	[tilespmem:s9+$0x4110] =	vst v0  }
.Ltmp0:
0x1a: {  	[tilespmem:s9+$0x4120] =	vst v0;
	(pc) =	sbr.rel @p0 .LBB2_2-.Ltmp0, $4  }
0x1b: {  	[tilespmem:s9+$0x4130] =	vst v0  }
0x1c: {  	[tilespmem:s9+$0x4140] =	vst v0  }
0x1d: {  	[tilespmem:s9+$0x4150] =	vst v0  }
0x1e: {  	[tilespmem:s9+$0x4160] =	vst v0;
	s9 =	sshra.s32 s10, $0x2;
	s10 =	sadd.s32 $0x200, s10  }
0x1f: {  	[tilespmem:s9+$0x4170] =	vst v0  }
0x20: {  	[tilespmem:s9+$0x4100] =	vst v0  }
0x21: {  	[tilespmem:s9+$0x4110] =	vst v0  }
0x22: {  	[tilespmem:s9+$0x4120] =	vst v0  }
0x23: {  	[tilespmem:s9+$0x4130] =	vst v0  }
0x24: {  	[tilespmem:s9+$0x4140] =	vst v0  }
0x25: {  	[tilespmem:s9+$0x4150] =	vst v0  }
0x26: {  	[tilespmem:s9+$0x4160] =	vst v0  }
0x27: {  	[spmem:s5] =	stream.linear.scatter [tilespmem:s30], [sflag:$0x2], $0x1000, $0x38;
	[tilespmem:$0x19100] =	vst v63  }
0x28: {  	_ =	swait.ge [sflag:s31], $0x1000  }
0x29: {  	[sflag:s31] =	ssyncset.done $0x0  }
0x2a: {  	[sflag:s31] =	ssyncadd.s32 $0xFFFFF000  }
0x2b: {  	[spmem:s11] =	stream.linear.scatter [tilespmem:s30], [sflag:$0x2], $0x1000, $0x38;
	[tilespmem:$0x19100] =	vst v63  }
0x2c: {  	_ =	swait.ge [sflag:s31], $0x1000  }
0x2d: {  	[sflag:s31] =	ssyncset.done $0x0  }
0x2e: {  	s7 =	rddreg [dreg:$0x4];
	[sflag:s31] =	ssyncadd.s32 $0xFFFFF000  }
0x2f: {  	[spmem:s7] =	stream.linear.scatter [tilespmem:s30], [sflag:$0x2], $0x1000, $0x38;
	[tilespmem:$0x19100] =	vst v63  }
0x30: {  	_ =	swait.ge [sflag:s31], $0x1000  }
0x31: {  	[sflag:s31] =	ssyncset.done $0x0  }
0x32: {  	s10 =	rddreg [dreg:$0x5];
	[sflag:s31] =	ssyncadd.s32 $0xFFFFF000  }
0x33: {  	[spmem:s10] =	stream.linear.scatter [tilespmem:s30], [sflag:$0x2], $0x1000, $0x38;
	[tilespmem:$0x19100] =	vst v63  }
0x34: {  	_ =	swait.ge [sflag:s31], $0x1000  }
0x35: {  	[sflag:s31] =	ssyncset.done $0x0  }
0x36: {  	s12 =	rddreg [dreg:$0x6];
	[sflag:s31] =	ssyncadd.s32 $0xFFFFF000  }
0x37: {  	[spmem:s12] =	stream.linear.scatter [tilespmem:s30], [sflag:$0x2], $0x1000, $0x38;
	[tilespmem:$0x19100] =	vst v63  }
0x38: {  	_ =	swait.ge [sflag:s31], $0x1000  }
0x39: {  	[sflag:s31] =	ssyncset.done $0x0  }
0x3a: {  	s13 =	rddreg [dreg:$0x7];
	[sflag:s31] =	ssyncadd.s32 $0xFFFFF000  }
0x3b: {  	[spmem:s13] =	stream.linear.scatter [tilespmem:s30], [sflag:$0x2], $0x1000, $0x38;
	[tilespmem:$0x19100] =	vst v63  }
0x3c: {  	_ =	swait.ge [sflag:s31], $0x1000  }
0x3d: {  	[sflag:s31] =	ssyncset.done $0x0  }
0x3e: {  	s9 =	rddreg [dreg:$0x8];
	[sflag:s31] =	ssyncadd.s32 $0xFFFFF000  }
0x3f: {  	[spmem:s9] =	stream.linear.scatter [tilespmem:s30], [sflag:$0x2], $0x1000, $0x38;
	[tilespmem:$0x19100] =	vst v63  }
0x40: {  	_ =	swait.ge [sflag:s31], $0x1000  }
0x41: {  	[sflag:s31] =	ssyncset.done $0x0  }
0x42: {  	s10 =	rddreg [dreg:$0x9];
	[sflag:s31] =	ssyncadd.s32 $0xFFFFF000  }
0x43: {  	[spmem:s10] =	stream.linear.scatter [tilespmem:s30], [sflag:$0x2], $0x1000, $0x38;
	[tilespmem:$0x19100] =	vst v63  }
0x44: {  	_ =	swait.ge [sflag:s31], $0x1000  }
0x45: {  	[sflag:s31] =	ssyncset.done $0x0  }
0x46: {  	[sflag:s31] =	ssyncadd.s32 $0xFFFFF000  }
0x47: {  	[spmem:s14] =	stream.linear.scatter [tilespmem:s30], [sflag:$0x2], $0x1000, $0x38;
	[tilespmem:$0x19100] =	vst v63  }
0x48: {  	_ =	swait.ge [sflag:s31], $0x1000  }
0x49: {  	[sflag:s31] =	ssyncset.done $0x0  }
0x4a: {  	[sflag:s31] =	ssyncadd.s32 $0xFFFFF000  }
0x4b: {  	[spmem:s15] =	stream.linear.scatter [tilespmem:s30], [sflag:$0x2], $0x1000, $0x38;
	[tilespmem:$0x19100] =	vst v63  }
0x4c: {  	_ =	swait.ge [sflag:s31], $0x1000  }
0x4d: {  	[sflag:s31] =	ssyncset.done $0x0  }
0x4e: {  	[sflag:s31] =	ssyncadd.s32 $0xFFFFF000  }
0x4f: {  	[spmem:s16] =	stream.linear.scatter [tilespmem:s30], [sflag:$0x2], $0x1000, $0x38;
	[tilespmem:$0x19100] =	vst v63  }
0x50: {  	_ =	swait.ge [sflag:s31], $0x1000  }
0x51: {  	[sflag:s31] =	ssyncset.done $0x0  }
0x52: {  	[sflag:s31] =	ssyncadd.s32 $0xFFFFF000  }
0x53: {  	[spmem:s17] =	stream.linear.scatter [tilespmem:s30], [sflag:$0x2], $0x1000, $0x38;
	[tilespmem:$0x19100] =	vst v63  }
0x54: {  	_ =	swait.ge [sflag:s31], $0x1000  }
0x55: {  	[sflag:s31] =	ssyncset.done $0x0  }
0x56: {  	[sflag:s31] =	ssyncadd.s32 $0xFFFFF000  }
0x57: {  	[spmem:s18] =	stream.linear.scatter [tilespmem:s30], [sflag:$0x2], $0x1000, $0x38;
	[tilespmem:$0x19100] =	vst v63  }
0x58: {  	_ =	swait.ge [sflag:s31], $0x1000  }
0x59: {  	[sflag:s31] =	ssyncset.done $0x0  }
0x5a: {  	[sflag:s31] =	ssyncadd.s32 $0xFFFFF000  }
0x5b: {  	[spmem:s19] =	stream.linear.scatter [tilespmem:s30], [sflag:$0x2], $0x1000, $0x38;
	[tilespmem:$0x19100] =	vst v63  }
0x5c: {  	_ =	swait.ge [sflag:s31], $0x1000  }
0x5d: {  	[sflag:s31] =	ssyncset.done $0x0  }
0x5e: {  	[sflag:s31] =	ssyncadd.s32 $0xFFFFF000  }
0x5f: {  	[spmem:s20] =	stream.linear.scatter [tilespmem:s30], [sflag:$0x2], $0x1000, $0x38;
	[tilespmem:$0x19100] =	vst v63  }
0x60: {  	_ =	swait.ge [sflag:s31], $0x1000  }
0x61: {  	[sflag:s31] =	ssyncset.done $0x0  }
0x62: {  	[sflag:s31] =	ssyncadd.s32 $0xFFFFF000  }
0x63: {  	[spmem:s21] =	stream.linear.scatter [tilespmem:s30], [sflag:$0x2], $0x1000, $0x38;
	[tilespmem:$0x19100] =	vst v63  }
0x64: {  	_ =	swait.ge [sflag:s31], $0x1000  }
0x65: {  	[sflag:s31] =	ssyncset.done $0x0  }
0x66: {  	[sflag:s31] =	ssyncadd.s32 $0xFFFFF000  }
0x67: {  	[spmem:s22] =	stream.linear.scatter [tilespmem:s30], [sflag:$0x2], $0x1000, $0x38;
	[tilespmem:$0x19100] =	vst v63  }
0x68: {  	_ =	swait.ge [sflag:s31], $0x1000  }
0x69: {  	[sflag:s31] =	ssyncset.done $0x0  }
0x6a: {  	[sflag:s31] =	ssyncadd.s32 $0xFFFFF000  }
0x6b: {  	[spmem:s26] =	stream.linear.scatter [tilespmem:s30], [sflag:$0x2], $0x1000, $0x38;
	[tilespmem:$0x19100] =	vst v63  }
0x6c: {  	_ =	swait.ge [sflag:s31], $0x1000  }
0x6d: {  	[sflag:s31] =	ssyncset.done $0x0  }
0x6e: {  	[sflag:s31] =	ssyncadd.s32 $0xFFFFF000  }
0x6f: {  	[spmem:s28] =	stream.linear.scatter [tilespmem:s30], [sflag:$0x2], $0x1000, $0x38;
	[tilespmem:$0x19100] =	vst v63  }
0x70: {  	_ =	swait.ge [sflag:s31], $0x1000  }
0x71: {  	[sflag:s31] =	ssyncset.done $0x0  }
0x72: {  	[sflag:s31] =	ssyncadd.s32 $0xFFFFF000  }
0x73: {  	[spmem:s29] =	stream.linear.scatter [tilespmem:s30], [sflag:$0x2], $0x1000, $0x38;
	[tilespmem:$0x19100] =	vst v63  }
0x74: {  	_ =	swait.ge [sflag:s31], $0x1000  }
0x75: {  	[sflag:s31] =	ssyncset.done $0x0  }
0x76: {  	[sflag:s31] =	ssyncadd.s32 $0xFFFFF000  }
0x77: {  	s12 =	sadd.s32 $0x0, s24;
	[bflag:$0x0] =	sbarrier.arrive $0xFFFF  }
0x78: {  	[tilespmem:s3], [sflag:$0x2] =	stream.linear.gather [hbm4b:s12+s3], $0x80, $0x38;
	[tilespmem:$0x19100] =	vst v63  }
0x79: {  	_ =	swait.ge [sflag:s31], $0x80  }
0x7a: {  	[sflag:s31] =	ssyncset.done $0x0  }
0x7b: {  	s13 =	sadd.s32 $0x0, s23;
	[sflag:s31] =	ssyncadd.s32 $0xFFFFFF80  }
0x7c: {  	[tilespmem:s1], [sflag:$0x2] =	stream.linear.gather [hbm4b:s13+s3], $0x80, $0x38;
	[tilespmem:$0x19100] =	vst v63  }
0x7d: {  	_ =	swait.ge [sflag:s31], $0x80  }
0x7e: {  	[sflag:s31] =	ssyncset.done $0x0  }
0x7f: {  	[sflag:s31] =	ssyncadd.s32 $0xFFFFFF80  }
0x80: {  	[tilespmem:s0], [sflag:$0x1] =	stream.indirect.gather [hbm4b:s4+s1], $0x80, s3, s1, $0xb8;
	[tilespmem:$0x19100] =	vst v63  }
0x81: {  	_ =	swait.ge [sflag:s6], $0x4000  }
0x82: {  	[sflag:s6] =	ssyncset.done $0x0  }
0x83: {  	[sflag:s6] =	ssyncadd.s32 $0xFFFFC000  }
0x84: {  	[spmem:s2] =	stream.indirect.scatter.add.f32 [tilespmem:s0], [sflag:$0x2], $0x80, s1, s1, $0xb8;
	[tilespmem:$0x19100] =	vst v63  }
0x85: {  	_ =	swait.ge [sflag:s31], $0x4000  }
0x86: {  	s7 =	simm.s32 $0x20;
	s9 =	simm.s32 $0x10;
	[sflag:s31] =	ssyncset.done $0x0  }
.LBB2_4:
0x87: {  	s10 =	sadd.s32 s9, s24  }
0x88: {  	[sflag:s31] =	ssyncadd.s32 $0xFFFFC000;
	s12 =	smov.u32 s7;
	s13 =	sadd.s32 $0x10, s7  }
0x89: {  	[tilespmem:s3], [sflag:$0x2] =	stream.linear.gather [hbm4b:s10+s3], $0x80, $0x38;
	[tilespmem:$0x19100] =	vst v63  }
0x8a: {  	p0 =	sne.s32 s7, $0x4E0;
	_ =	swait.ge [sflag:s31], $0x80  }
0x8b: {  	[sflag:s31] =	ssyncset.done $0x0  }
0x8c: {  	s7 =	sadd.s32 s9, s23;
	s9 =	smov.u32 s12;
	[sflag:s31] =	ssyncadd.s32 $0xFFFFFF80  }
0x8d: {  	[tilespmem:s1], [sflag:$0x2] =	stream.linear.gather [hbm4b:s7+s3], $0x80, $0x38;
	[tilespmem:$0x19100] =	vst v63  }
0x8e: {  	_ =	swait.ge [sflag:s31], $0x80  }
0x8f: {  	[sflag:s31] =	ssyncset.done $0x0  }
0x90: {  	[sflag:s31] =	ssyncadd.s32 $0xFFFFFF80  }
0x91: {  	[tilespmem:s0], [sflag:$0x1] =	stream.indirect.gather [hbm4b:s4+s1], $0x80, s3, s1, $0xb8;
	[tilespmem:$0x19100] =	vst v63  }
0x92: {  	_ =	swait.ge [sflag:s6], $0x4000  }
.Ltmp1:
0x93: {  	[sflag:s6] =	ssyncset.done $0x0;
	(pc) =	sbr.rel @p0 .LBB2_4-.Ltmp1, $4  }
0x94: {  	[sflag:s6] =	ssyncadd.s32 $0xFFFFC000  }
0x95: {  	[spmem:s2] =	stream.indirect.scatter.add.f32 [tilespmem:s0], [sflag:$0x2], $0x80, s1, s1, $0xb8;
	[tilespmem:$0x19100] =	vst v63  }
0x96: {  	_ =	swait.ge [sflag:s31], $0x4000  }
0x97: {  	s7 =	smov.u32 s13;
	[sflag:s31] =	ssyncset.done $0x0  }
0x98: {  	s7 =	sadd.s32 s9, s24;
	[sflag:s31] =	ssyncadd.s32 $0xFFFFC000  }
0x99: {  	[tilespmem:s3], [sflag:$0x2] =	stream.linear.gather [hbm4b:s7+s3], $0x80, $0x38;
	[tilespmem:$0x19100] =	vst v63  }
0x9a: {  	_ =	swait.ge [sflag:s31], $0x80  }
0x9b: {  	[sflag:s31] =	ssyncset.done $0x0  }
0x9c: {  	s10 =	sadd.s32 s9, s23;
	[sflag:s31] =	ssyncadd.s32 $0xFFFFFF80  }
0x9d: {  	[tilespmem:s1], [sflag:$0x2] =	stream.linear.gather [hbm4b:s10+s3], $0x80, $0x38;
	[tilespmem:$0x19100] =	vst v63  }
0x9e: {  	_ =	swait.ge [sflag:s31], $0x80  }
0x9f: {  	[sflag:s31] =	ssyncset.done $0x0  }
0xa0: {  	[sflag:s31] =	ssyncadd.s32 $0xFFFFFF80  }
0xa1: {  	[tilespmem:s0], [sflag:$0x1] =	stream.indirect.gather [hbm4b:s4+s1], $0x80, s3, s1, $0xb8;
	[tilespmem:$0x19100] =	vst v63  }
0xa2: {  	_ =	swait.ge [sflag:s6], $0x4000  }
0xa3: {  	[sflag:s6] =	ssyncset.done $0x0  }
0xa4: {  	[sflag:s6] =	ssyncadd.s32 $0xFFFFC000  }
0xa5: {  	[spmem:s2] =	stream.indirect.scatter.add.f32 [tilespmem:s0], [sflag:$0x2], $0x80, s1, s1, $0xb8;
	[tilespmem:$0x19100] =	vst v63  }
0xa6: {  	_ =	swait.ge [sflag:s31], $0x4000  }
0xa7: {  	s12 =	stileid.u32;
	[sflag:s31] =	ssyncset.done $0x0  }
0xa8: {  	s13 =	sshrl.u32 s5, $0x3;
	s7 =	sshll.u32 s12, $0x6;
	[sflag:s31] =	ssyncadd.s32 $0xFFFFC000  }
0xa9: {  	s9 =	sor.u32 $0x1C02, s7;
	s10 =	sadd.s32 $0x0, s25;
	[bflag:$0x0] =	sbarrier.arrive $0xFFFF  }
0xaa: {  	[hbm:s10], [sflag:s9] =	dma.local [spmem:s13], $0x200  }
0xab: {  	s7 =	smov.u32 s11;
	s10 =	simm.s32 $0x200;
	_ =	swait.ge [sflag:s31], $0x200  }
.LBB2_6:
0xac: {  	s12 =	sadd.s32 s10, s25;
	[sflag:s31] =	ssyncset.done $0x0;
	p0 =	sne.s32 s10, $0x2600  }
.Ltmp2:
0xad: {  	s13 =	sshrl.u32 s7, $0x3;
	[sflag:s31] =	ssyncadd.s32 $0xFFFFFE00;
	(pc) =	sbr.rel @p0 .LBB2_6-.Ltmp2, $3  }
0xae: {  	[hbm:s12], [sflag:s9] =	dma.local [spmem:s13], $0x200  }
0xaf: {  	s10 =	sadd.s32 $0x200, s10;
	_ =	sdelay $0x1  }
0xb0: {  	s7 =	sadd.s32 $0x1000, s7;
	_ =	swait.ge [sflag:s31], $0x200  }
0xb1: {  	s8 =	sadd.s32 $0x1, s8;
	s7 =	rddreg [dreg:$0x3]  }
0xb2: {  	p0 =	sne.s32 s8, s7  }
.Ltmp3:
0xb3: {  	_ = 	snop;
	(pc) =	sbr.rel @p0 .LBB2_1-.Ltmp3, $3  }
0xb4: {  	_ =	sdelay $0x1  }
0xb5: {  	[sflag:s31] =	ssyncset.done $0x0  }
0xb6: {  	[sflag:s31] =	ssyncadd.s32 $0xFFFFFE00  }
0xb7: {  	_ =	sfence.sel $0x180000  }
0xb8: {  	[bflag:$0x0] =	sbarrier.arrive $0xFFFF  }
0xb9: {  	_ =	strace $0x9000004D  }
0xba: {  	s0 =	stileid.u32;
	[bflag:$0x2] =	sbarrier.arrive $0xFFFF  }
0xbb: {  	p0 =	sne.s32 s0, $0x0;
	s0 =	rddreg [dreg:$0x2]  }
0xbc: {  	s0 =	sadd.s32 @!p0 $0x100000, s0  }
0xbd: {  	[sflag:s0] =	ssyncadd.tile.s32 @!p0 $0x1;
	_ =	shalt  }
.Lfunc_end2:
_tile_overlayer_lowered:
.L_overlay_start_2:
0xbe: {  	(tag) =	ssettag $0x2  }
0xbf: {  	s0 =	rddreg [dreg:$0x0];
	s2 =	stileid.u32  }
0xc0: {  	s1 =	rddreg [dreg:$0x1];
	p0 =	sne.s32 s2, $0x0  }
0xc1: {  	s3 =	rddreg [dreg:$0x2];
	[bflag:$0x3] =	sbarrier.arrive $0xFFFF;
	s2 =	simm.s32 @!p0 $0x1C02  }
0xc2: {  	[timem:s3], [sflag:s2] =	dma.local @!p0 [hbm:s0], s1  }
0xc3: {  	s0 =	simm.s32 @!p0 $0x2  }
0xc4: {  	_ =	swait.ge @!p0 [sflag:s0], s1  }
0xc5: {  	s1 =	ssub.s32 @!p0 $0x0, s1;
	[sflag:s0] =	ssyncset.done @!p0 $0x0  }
0xc6: {  	[sflag:s0] =	ssyncadd.s32 @!p0 s1  }
0xc7: {  	[bflag:$0x3] =	sbarrier.arrive $0xFFFF  }
0xc8: {  	_ =	shalt  }

// kernel: kernel.9.cloned.1.call-start
scs
__scs_entry_jumppad:
0x0: {  	(pc) =	sbr.rel $0x88, $3  }
0x1: {  	(tag) =	ssettag $0x0;
	lr =	simm.s32 $0x1  }
0x2: {  	[smem:$0x3F94] =	sst lr;
	_ =	strace $0xD0000000  }
0x3: {  	_ = 	snop  }
0x4: {  	_ = 	snop  }
0x5: {  	_ = 	snop  }
0x6: {  	_ = 	snop  }
0x7: {  	_ = 	snop  }
__scs_overlays_trampoline_lowered:
0x8: {  	[smem:$0x3FA3] =	sst s0  }
0x9: {  	[smem:$0x3FA4] =	sst s1  }
0xa: {  	[smem:$0x3FA5] =	sst s2  }
0xb: {  	[smem:$0x3FA6] =	sst s3  }
0xc: {  	[smem:$0x3FA7] =	sst s4  }
0xd: {  	[smem:$0x3FA8] =	sst s5  }
0xe: {  	[smem:$0x3FA9] =	sst s6  }
0xf: {  	[smem:$0x3FAA] =	sst s7  }
0x10: {  	[smem:$0x3FAB] =	sst s8  }
0x11: {  	[smem:$0x3FAC] =	sst s9;
	s0 =	simm.s32 @!p0 $0x0  }
0x12: {  	s1 =	sld [smem:$0x3F92];
	s0 =	simm.s32 @p0 $0x1  }
0x13: {  	[smem:$0x3FAD] =	sst s0;
	s0 =	simm.s32 @!p1 $0x0  }
0x14: {  	s2 =	sld [smem:$0x3F91];
	s0 =	simm.s32 @p1 $0x1  }
0x15: {  	[smem:$0x3FAE] =	sst s0;
	s0 =	simm.s32 @!p2 $0x0  }
0x16: {  	s3 =	sld [smem:$0x3FDB];
	s0 =	simm.s32 @p2 $0x1  }
0x17: {  	s4 =	simm.s32 $0x1BF5;
	[smem:$0x3FB0] =	sst s0  }
0x18: {  	s0 =	sld [smem:$0x3F93];
	_ =	swait.ge [sflag:s4], $0x0  }
0x19: {  	s7 =	sld [smem:$0x3F94]  }
0x1a: {  	s8 =	sadd.s32 $0xFFFFE003, lr  }
0x1b: {  	s9 =	sadd.s32 $0xFFFFFEF7, lr;
	s5 =	simm.s32 $0xFFFFFFFF;
	p2 =	slt.u32 s8, $0xFFFFF086  }
0x1c: {  	p1 =	slt.u32 s9, $0xF7A;
	s5 =	simm.s32 @!p2 $0x0  }
0x1d: {  	s5 =	simm.s32 @p1 $0x1;
	p0 =	seq.s32 s7, s2  }
0x1e: {  	s7 =	smul.u32 @!p0 $0xF7A, s2;
	p2 =	seq.s32 @!p0 s5, $0x0  }
0x1f: {  	s9 =	smul.u32 $0xF7A, s1;
	s8 =	simm.s32 @!p0 $0x1BF5;
	p2 =	por !p2, p0  }
0x20: {  	[sflag:s8] =	ssyncset.s32 @!p0 $0xFFFFF086;
	s6 =	sadd.s32 @!p0 s3, s7;
	s7 =	simm.s32 @!p0 $0x108  }
0x21: {  	s3 =	sadd.s32 s3, s9;
	s6 =	sadd.s32 @!p0 $0x88, s6;
	s7 =	simm.s32 @p2 $0x1082  }
0x22: {  	[simem:s7], [sflag:s8] =	dma.local @!p0 [hbm:s6], $0xF7A  }
0x23: {  	s9 =	sor.u32 $0xD0000000, s2;
	s6 =	simm.s32 $0x108;
	_ =	swait.ge @!p0 [sflag:s8], $0x0  }
0x24: {  	s3 =	sadd.s32 $0x88, s3;
	s6 =	simm.s32 @!p1 $0x1082;
	[sflag:s4] =	ssyncset.s32 $0xFFFFF086  }
0x25: {  	[simem:s6], [sflag:s4] =	dma.local [hbm:s3], $0xF7A  }
0x26: {  	[smem:$0x3F94] =	sst s1;
	(tag) =	ssettag s2;
	_ =	strace s9  }
0x27: {  	s1 =	sld [smem:$0x3FA4]  }
0x28: {  	s2 =	sld [smem:$0x3FA5]  }
0x29: {  	s4 =	sld [smem:$0x3FA7]  }
0x2a: {  	p0 =	seq.s32 s5, $0x0;
	s5 =	sld [smem:$0x3FA8]  }
0x2b: {  	s6 =	sld [smem:$0x3FA9]  }
0x2c: {  	s7 =	sld [smem:$0x3FAA]  }
0x2d: {  	s3 =	simm.s32 $0x108;
	s8 =	sld [smem:$0x3FAB]  }
0x2e: {  	s3 =	simm.s32 @!p0 $0x1082;
	s9 =	sld [smem:$0x3FAC]  }
0x2f: {  	lr =	sadd.s32 s0, s3;
	s0 =	sld [smem:$0x3FA3]  }
0x30: {  	s3 =	sld [smem:$0x3FA6]  }
0x31: {  	[smem:$0x3FAF] =	sst s10  }
0x32: {  	s10 =	sld [smem:$0x3FAD];
	_ =	sdelay $0x3  }
0x33: {  	p0 =	seq.s32 s10, $0x1;
	s10 =	sld [smem:$0x3FAF];
	_ =	sdelay $0x3  }
0x34: {  	[smem:$0x3FAF] =	sst s10  }
0x35: {  	s10 =	sld [smem:$0x3FAE];
	_ =	sdelay $0x3  }
0x36: {  	p1 =	seq.s32 s10, $0x1;
	s10 =	sld [smem:$0x3FAF];
	_ =	sdelay $0x3  }
0x37: {  	[smem:$0x3FAF] =	sst s10  }
0x38: {  	s10 =	sld [smem:$0x3FB0]  }
0x39: {  	_ = 	snop;
	(pc) =	sbr.ind lr, $3  }
0x3a: {  	_ = 	snop  }
0x3b: {  	_ = 	snop  }
0x3c: {  	p2 =	seq.s32 s10, $0x1;
	s10 =	sld [smem:$0x3FAF]  }
0x3d: {  	_ =	shalt  }
0x3e: {  	_ =	shalt  }
0x3f: {  	_ =	shalt  }
0x40: {  	_ =	shalt  }
0x41: {  	_ =	shalt  }
0x42: {  	_ =	shalt  }
0x43: {  	_ =	shalt  }
0x44: {  	_ =	shalt  }
0x45: {  	_ =	shalt  }
0x46: {  	_ =	shalt  }
0x47: {  	_ =	shalt  }
0x48: {  	_ =	shalt  }
0x49: {  	_ =	shalt  }
0x4a: {  	_ =	shalt  }
0x4b: {  	_ =	shalt  }
0x4c: {  	_ =	shalt  }
0x4d: {  	_ =	shalt  }
0x4e: {  	_ =	shalt  }
0x4f: {  	_ =	shalt  }
0x50: {  	_ =	shalt  }
0x51: {  	_ =	shalt  }
0x52: {  	_ =	shalt  }
0x53: {  	_ =	shalt  }
0x54: {  	_ =	shalt  }
0x55: {  	_ =	shalt  }
0x56: {  	_ =	shalt  }
0x57: {  	_ =	shalt  }
0x58: {  	_ =	shalt  }
0x59: {  	_ =	shalt  }
0x5a: {  	_ =	shalt  }
0x5b: {  	_ =	shalt  }
0x5c: {  	_ =	shalt  }
0x5d: {  	_ =	shalt  }
0x5e: {  	_ =	shalt  }
0x5f: {  	_ =	shalt  }
0x60: {  	_ =	shalt  }
0x61: {  	_ =	shalt  }
0x62: {  	_ =	shalt  }
0x63: {  	_ =	shalt  }
0x64: {  	_ =	shalt  }
0x65: {  	_ =	shalt  }
0x66: {  	_ =	shalt  }
0x67: {  	_ =	shalt  }
0x68: {  	_ =	shalt  }
0x69: {  	_ =	shalt  }
0x6a: {  	_ =	shalt  }
0x6b: {  	_ =	shalt  }
0x6c: {  	_ =	shalt  }
0x6d: {  	_ =	shalt  }
0x6e: {  	_ =	shalt  }
0x6f: {  	_ =	shalt  }
0x70: {  	_ =	shalt  }
0x71: {  	_ =	shalt  }
0x72: {  	_ =	shalt  }
0x73: {  	_ =	shalt  }
0x74: {  	_ =	shalt  }
0x75: {  	_ =	shalt  }
0x76: {  	_ =	shalt  }
0x77: {  	_ =	shalt  }
0x78: {  	_ =	shalt  }
0x79: {  	_ =	shalt  }
0x7a: {  	_ =	shalt  }
0x7b: {  	_ =	shalt  }
0x7c: {  	_ =	shalt  }
0x7d: {  	_ =	shalt  }
0x7e: {  	_ =	shalt  }
0x7f: {  	_ =	shalt  }
0x80: {  	_ =	shalt  }
0x81: {  	_ =	shalt  }
0x82: {  	_ =	shalt  }
0x83: {  	_ =	shalt  }
0x84: {  	_ =	shalt  }
0x85: {  	_ =	shalt  }
0x86: {  	_ =	shalt  }
0x87: {  	_ =	shalt  }
.Lfunc_end0:
.L_simem_size_0:
called_computation_lowered:
.L_overlay_start_0:
0x88: {  	s2 =	sld [smem:$0x3FD9]  }
0x89: {  	s3 =	sld [smem:$0x3FFE];
	_ =	sdelay $0x1  }
0x8a: {  	s1 =	srdreg.scid  }
0x8b: {  	s0 =	sand.u32 $0x1, s1  }
0x8c: {  	s17 =	sshll.u32 s0, $0xA;
	s2 =	sadd.s32 s3, s2  }
0x8d: {  	s2 =	sadd.s32 s2, s17  }
0x8e: {  	[smem:$0x3FBB] =	sst s2  }
0x8f: {  	_ = 	snop  }
0x90: {  	s2 =	sld [smem:$0x3FD0];
	(tm) =	ssettm $0x1  }
0x91: {  	s18 =	sld [smem:$0x3FFB];
	_ =	sdelay $0x3  }
0x92: {  	_ =	strace s18  }
0x93: {  	s3 =	sld [smem:$0x3FFC];
	_ =	sdelay $0x3  }
0x94: {  	_ =	strace s3  }
0x95: {  	s3 =	sld [smem:$0x3FFD];
	_ =	sdelay $0x3  }
0x96: {  	_ =	strace s3  }
0x97: {  	_ =	strace $0x8FFFFFFF  }
0x98: {  	s19 =	sld [smem:$0x3FDB];
	_ =	sdelay $0x1  }
0x99: {  	s4 =	simm.s32 $_scs_section_size  }
0x9a: {  	s5 =	simm.s32 $_size__tile_overlayer_lowered;
	s6 =	simm.s32 $_tile_overlayer_lowered  }
0x9b: {  	s22 =	simm.s32 $0x1BFF;
	s21 =	sshll.u32 s6, $0x1;
	s3 =	sadd.s32 s4, s19  }
0x9c: {  	s7 =	simm.s32 $0x0;
	s20 =	sshll.u32 s5, $0x1;
	s5 =	sadd.s32 s21, s3  }
0x9d: {  	[timem:s7], [sflag:s22] =	dma.local [hbm:s5], s20  }
0x9e: {  	_ =	swait.ge [sflag:s22], s20  }
0x9f: {  	s4 =	ssub.s32 $0x0, s20;
	[sflag:s22] =	ssyncset.done $0x0  }
0xa0: {  	[sflag:s22] =	ssyncadd.s32 s4;
	_ =	sdelay $0x1  }
0xa1: {  	s23 =	simm.s32 $0x1B8B  }
0xa2: {  	_ =	swait.ge [sflag:s23], $0x1  }
0xa3: {  	[sflag:s23] =	ssyncset.done $0x0  }
0xa4: {  	s25 =	simm.s32 $0x1B8E;
	s24 =	sld [smem:$0x3FFE];
	[sflag:s23] =	ssyncadd.s32 $0xFFFFFFFF  }
0xa5: {  	s26 =	simm.s32 $execute0_lowered;
	[smem:$0x3FD2] =	sst s25  }
0xa6: {  	s5 =	sshll.u32 s26, $0x1;
	_ =	strace $0x80000046;
	[dreg:$0x1] =	wrdreg $0xFFFFFFFF  }
0xa7: {  	s28 =	simm.s32 $_size_execute0_lowered;
	s3 =	sadd.s32 s3, s5;
	[dreg:$0x0] =	wrdreg $0x0  }
0xa8: {  	s5 =	sshll.u32 s28, $0x1;
	[dreg:$0x2] =	wrdreg s3  }
0xa9: {  	[dreg:$0x3] =	wrdreg s5  }
0xaa: {  	[dreg:$0x4] =	wrdreg $0xC0  }
0xab: {  	_ =	task [dreg:s7], $0x5FFFF  }
0xac: {  	[dreg:$0x1] =	wrdreg $0xFFFFFFFF  }
0xad: {  	[dreg:$0x0] =	wrdreg $0x60  }
0xae: {  	[dreg:$0x2] =	wrdreg s24  }
0xaf: {  	[dreg:$0x3] =	wrdreg s2  }
0xb0: {  	[dreg:$0x4] =	wrdreg $0x31000  }
0xb1: {  	[dreg:$0x5] =	wrdreg $0xD4000  }
0xb2: {  	[dreg:$0x6] =	wrdreg $0x9  }
0xb3: {  	_ =	task.clear_ibuf [dreg:s7], $0x7FFFF;
	_ =	strace $0x90000046  }
0xb4: {  	s29 =	simm.s32 $0x9;
	_ =	strace $0x80000048  }
0xb5: {  	_ =	swait.ge [sflag:s29], $0x1  }
0xb6: {  	[sflag:s29] =	ssyncadd.s32 $0xFFFFFFFF  }
0xb7: {  	_ =	strace $0x90000048  }
0xb8: {  	_ =	sfence  }
0xb9: {  	s30 =	sld [smem:$0x0];
	_ =	sdelay $0x2  }
0xba: {  	s31 =	sshll.u32 s1, $0xD;
	s1 =	sshrl.u32 s1, $0x2  }
0xbb: {  	s3 =	sand.u32 $0x4000, s31;
	s1 =	sadd.s32 s1, s30  }
0xbc: {  	s0 =	sor.u32 s3, s0;
	s1 =	sshll.u32 s1, $0x11  }
0xbd: {  	s0 =	sor.u32 s1, s0  }
0xbe: {  	s0 =	sadd.s32 $0x8F2B, s0  }
0xbf: {  	[sflag:s0] =	ssyncadd.remote.s32 $0x1  }
0xc0: {  	_ =	sfence.sel $0xFFFF  }
0xc1: {  	[dreg:$0x0] =	wrdreg $0xFFFFFFFF;
	(pc) =	sbr.abs _section_cstart, $3  }
0xc2: {  	[dreg:$0x1] =	wrdreg $0xFFFFFFFF  }
0xc3: {  	_ =	task.clear_ibuf [dreg:s7], $0x2FFFF;
	_ =	strace $0x9FFFFFFF  }
0xc4: {  	(tm) =	ssettm $0x7FFFFFFF  }
0xc5: {  	_ =	shalt  }
tec
execute0_lowered:
.L_overlay_start_1:
0x0: {  	(tag) =	ssettag $0x1  }
0x1: {  	s16 =	stileid.u32  }
0x2: {  	s0 =	srdreg.scid;
	s5 =	smul.u32 $0x2780, s16  }
0x3: {  	s3 =	sand.u32 $0x1, s0;
	s0 =	smul.u32 $0x280, s16  }
0x4: {  	s2 =	rddreg [dreg:$0x0];
	s9 =	smul.u32 $0xA000, s16  }
0x5: {  	s6 =	rddreg [dreg:$0x1];
	s1 =	simm.s32 $0x0;
	s16 =	smul.u32 $0x28000, s16  }
0x6: {  	[smem:$0x7FF] =	sst s1;
	s4 =	smul.u32 $0x27800, s3  }
0x7: {  	s10 =	sadd.s32 $0x78E00, s2;
	s7 =	smul.u32 $0xA0000, s3;
	s8 =	ssub.s32 $0x2, s3  }
0x8: {  	s3 =	smul.u32 $0x2800, s3;
	s11 =	sshrl.u32 s8, $0x1;
	s30 =	sshrl.u32 s16, $0x2  }
0x9: {  	s16 =	sadd.s32 $0x65400, s2;
	s4 =	sadd.s32 s5, s4;
	s5 =	ssub.s32 s8, s11  }
0xa: {  	s3 =	sadd.s32 s0, s3;
	s12 =	sadd.s32 s7, s9;
	s11 =	sor.u32 $0x1000, s9  }
0xb: {  	s8 =	sadd.s32 $0x3000, s9;
	s3 =	sshrl.u32 s3, $0x3;
	s13 =	sshrl.u32 s12, $0x3  }
0xc: {  	s14 =	sadd.s32 s7, s11;
	s12 =	sadd.s32 s7, s8;
	s29 =	sshrl.u32 s4, $0x3  }
0xd: {  	s3 =	sadd.s32 s6, s3;
	s15 =	sshrl.u32 s14, $0x3;
	s6 =	sadd.s32 $0x2000, s9  }
0xe: {  	s14 =	sadd.s32 $0x4000, s9;
	s18 =	sshrl.u32 s12, $0x3;
	s12 =	rddreg [dreg:$0x2]  }
0xf: {  	[dreg:$0x5] =	wrdreg s3;
	s3 =	sadd.s32 s10, s13;
	s17 =	sadd.s32 s7, s6  }
0x10: {  	s19 =	sadd.s32 s7, s14;
	s13 =	rddreg [dreg:$0x3];
	s4 =	sadd.s32 s9, s12  }
0x11: {  	[dreg:$0x6] =	wrdreg s3;
	s3 =	sadd.s32 s10, s15;
	s20 =	sshrl.u32 s19, $0x3  }
0x12: {  	s15 =	sadd.s32 $0x5000, s9;
	s19 =	sadd.s32 $0x6000, s9;
	[dreg:$0x7] =	wrdreg s3  }
0x13: {  	s3 =	sshrl.u32 s17, $0x3;
	s21 =	sadd.s32 s7, s15;
	s22 =	sadd.s32 s7, s19  }
0x14: {  	s17 =	sadd.s32 s30, s12;
	s3 =	sadd.s32 s10, s3;
	s23 =	sshrl.u32 s22, $0x3  }
0x15: {  	s22 =	sadd.s32 $0x9000, s9;
	[dreg:$0x8] =	wrdreg s3;
	s3 =	sadd.s32 s10, s18  }
0x16: {  	s18 =	sadd.s32 s0, s13;
	s0 =	sshrl.u32 s4, $0x3;
	s4 =	sadd.s32 $0x3000, s17  }
0x17: {  	[dreg:$0x9] =	wrdreg s3;
	s3 =	sadd.s32 s10, s20;
	s20 =	sadd.s32 $0x7000, s9  }
0x18: {  	[dreg:$0xa] =	wrdreg s3;
	s3 =	sshrl.u32 s21, $0x3;
	s24 =	sadd.s32 s7, s20  }
0x19: {  	s21 =	sadd.s32 $0x8000, s9;
	s9 =	sadd.s32 s8, s12;
	s8 =	sadd.s32 $0x7000, s17  }
0x1a: {  	s3 =	sadd.s32 s10, s3;
	s25 =	sshrl.u32 s24, $0x3;
	s26 =	sadd.s32 s7, s21  }
0x1b: {  	s7 =	sadd.s32 s7, s22;
	[dreg:$0xb] =	wrdreg s3;
	s3 =	sadd.s32 s10, s23  }
0x1c: {  	s7 =	sshrl.u32 s7, $0x3;
	s23 =	sadd.s32 s22, s12;
	[dreg:$0xc] =	wrdreg s3  }
0x1d: {  	s3 =	sadd.s32 s10, s25;
	s28 =	sadd.s32 s10, s7;
	s7 =	sadd.s32 s6, s12  }
0x1e: {  	s6 =	sadd.s32 $0x5000, s17;
	[dreg:$0xd] =	wrdreg s3;
	s3 =	sshrl.u32 s26, $0x3  }
0x1f: {  	[dreg:$0xf] =	wrdreg s28;
	s25 =	sshrl.u32 s7, $0x3;
	s26 =	sshrl.u32 s9, $0x3  }
0x20: {  	s7 =	sadd.s32 $0x6000, s17;
	s9 =	sadd.s32 $0x8000, s17;
	s3 =	sadd.s32 s10, s3  }
0x21: {  	s10 =	sadd.s32 s14, s12;
	s14 =	sadd.s32 s19, s12;
	s19 =	sadd.s32 s21, s12  }
0x22: {  	[dreg:$0xe] =	wrdreg s3;
	s3 =	sadd.s32 s29, s2;
	s2 =	smax.u32 s5, $0x1  }
0x23: {  	s5 =	sadd.s32 s11, s12;
	s11 =	sadd.s32 s15, s12;
	s15 =	sadd.s32 s20, s12  }
0x24: {  	s28 =	sshrl.u32 s10, $0x3;
	_ =	strace $0x80000047;
	[dreg:$0x10] =	wrdreg s2  }
0x25: {  	s30 =	sshrl.u32 s14, $0x3;
	s10 =	sadd.s32 $0x9000, s17;
	[dreg:$0x11] =	wrdreg s0  }
0x26: {  	s14 =	simm.s32 $0x2100;
	s20 =	sadd.s32 $0xA0E00, s3;
	[dreg:$0x13] =	wrdreg s25  }
0x27: {  	s21 =	sadd.s32 $0xD200, s3;
	s22 =	sadd.s32 $0x3400, s3;
	[dreg:$0x14] =	wrdreg s26  }
0x28: {  	s24 =	sshrl.u32 s5, $0x3;
	[dreg:$0x15] =	wrdreg s28;
	s29 =	sshrl.u32 s11, $0x3  }
0x29: {  	[dreg:$0x17] =	wrdreg s30;
	s31 =	sshrl.u32 s15, $0x3;
	s11 =	sshrl.u32 s19, $0x3  }
0x2a: {  	s0 =	sshrl.u32 s23, $0x3;
	s2 =	sadd.s32 $0x1000, s17;
	s3 =	sadd.s32 $0x2000, s17  }
0x2b: {  	s5 =	sadd.s32 $0x4000, s17;
	s15 =	simm.s32 $0x2;
	s19 =	simm.s32 $0x80  }
0x2c: {  	s23 =	simm.s32 $0x100;
	s25 =	simm.s32 $0xD100;
	[dreg:$0x12] =	wrdreg s24  }
0x2d: {  	v0 =	vimm.f32 $0.0e+00;
	v1 =	vimm.f32 $1.000000000e+00;
	s26 =	simm.s32 $0x0;
	[dreg:$0x16] =	wrdreg s29;
	s24 =	simm.s32 $0x1  }
.LBB2_1:
0x2e: {  	s29 =	simm.s32 $0x100;
	s28 =	simm.s32 $0x0  }
.LBB2_2:
0x2f: {  	p0 =	sne.s32 s29, $0x3F00;
	[tilespmem:s28+$0x2130] =	vst v0;
	s30 =	smov.u32 s29;
	s29 =	sadd.s32 $0x100, s29  }
.Ltmp0:
0x30: {  	[tilespmem:s28+$0x2120] =	vst v0;
	(pc) =	sbr.rel @p0 .LBB2_2-.Ltmp0, $3  }
0x31: {  	[tilespmem:s28+$0x2100] =	vst v0  }
0x32: {  	[tilespmem:s28+$0x2110] =	vst v0;
	_ =	sdelay $0x1  }
0x33: {  	s28 =	sshra.s32 s30, $0x2  }
0x34: {  	[tilespmem:s28+$0x2130] =	vst v0  }
0x35: {  	[tilespmem:s28+$0x2120] =	vst v0  }
0x36: {  	[tilespmem:s28+$0x2100] =	vst v0  }
0x37: {  	[tilespmem:s28+$0x2110] =	vst v0  }
0x38: {  	[spmem:s17] =	stream.linear.scatter [tilespmem:s14], [sflag:$0x2], $0x1000, $0x38;
	[tilespmem:$0xD680] =	vst v63  }
0x39: {  	_ =	swait.ge [sflag:s15], $0x1000  }
0x3a: {  	[sflag:s15] =	ssyncset.done $0x0  }
0x3b: {  	[sflag:s15] =	ssyncadd.s32 $0xFFFFF000  }
0x3c: {  	[spmem:s2] =	stream.linear.scatter [tilespmem:s14], [sflag:$0x2], $0x1000, $0x38;
	[tilespmem:$0xD680] =	vst v63  }
0x3d: {  	_ =	swait.ge [sflag:s15], $0x1000  }
0x3e: {  	[sflag:s15] =	ssyncset.done $0x0  }
0x3f: {  	[sflag:s15] =	ssyncadd.s32 $0xFFFFF000  }
0x40: {  	[spmem:s3] =	stream.linear.scatter [tilespmem:s14], [sflag:$0x2], $0x1000, $0x38;
	[tilespmem:$0xD680] =	vst v63  }
0x41: {  	_ =	swait.ge [sflag:s15], $0x1000  }
0x42: {  	[sflag:s15] =	ssyncset.done $0x0  }
0x43: {  	[sflag:s15] =	ssyncadd.s32 $0xFFFFF000  }
0x44: {  	[spmem:s4] =	stream.linear.scatter [tilespmem:s14], [sflag:$0x2], $0x1000, $0x38;
	[tilespmem:$0xD680] =	vst v63  }
0x45: {  	_ =	swait.ge [sflag:s15], $0x1000  }
0x46: {  	[sflag:s15] =	ssyncset.done $0x0  }
0x47: {  	[sflag:s15] =	ssyncadd.s32 $0xFFFFF000  }
0x48: {  	[spmem:s5] =	stream.linear.scatter [tilespmem:s14], [sflag:$0x2], $0x1000, $0x38;
	[tilespmem:$0xD680] =	vst v63  }
0x49: {  	_ =	swait.ge [sflag:s15], $0x1000  }
0x4a: {  	[sflag:s15] =	ssyncset.done $0x0  }
0x4b: {  	[sflag:s15] =	ssyncadd.s32 $0xFFFFF000  }
0x4c: {  	[spmem:s6] =	stream.linear.scatter [tilespmem:s14], [sflag:$0x2], $0x1000, $0x38;
	[tilespmem:$0xD680] =	vst v63  }
0x4d: {  	_ =	swait.ge [sflag:s15], $0x1000  }
0x4e: {  	[sflag:s15] =	ssyncset.done $0x0  }
0x4f: {  	[sflag:s15] =	ssyncadd.s32 $0xFFFFF000  }
0x50: {  	[spmem:s7] =	stream.linear.scatter [tilespmem:s14], [sflag:$0x2], $0x1000, $0x38;
	[tilespmem:$0xD680] =	vst v63  }
0x51: {  	_ =	swait.ge [sflag:s15], $0x1000  }
0x52: {  	[sflag:s15] =	ssyncset.done $0x0  }
0x53: {  	[sflag:s15] =	ssyncadd.s32 $0xFFFFF000  }
0x54: {  	[spmem:s8] =	stream.linear.scatter [tilespmem:s14], [sflag:$0x2], $0x1000, $0x38;
	[tilespmem:$0xD680] =	vst v63  }
0x55: {  	_ =	swait.ge [sflag:s15], $0x1000  }
0x56: {  	[sflag:s15] =	ssyncset.done $0x0  }
0x57: {  	[sflag:s15] =	ssyncadd.s32 $0xFFFFF000  }
0x58: {  	[spmem:s9] =	stream.linear.scatter [tilespmem:s14], [sflag:$0x2], $0x1000, $0x38;
	[tilespmem:$0xD680] =	vst v63  }
0x59: {  	_ =	swait.ge [sflag:s15], $0x1000  }
0x5a: {  	[sflag:s15] =	ssyncset.done $0x0  }
0x5b: {  	[sflag:s15] =	ssyncadd.s32 $0xFFFFF000  }
0x5c: {  	[spmem:s10] =	stream.linear.scatter [tilespmem:s14], [sflag:$0x2], $0x1000, $0x38;
	[tilespmem:$0xD680] =	vst v63  }
0x5d: {  	_ =	swait.ge [sflag:s15], $0x1000  }
0x5e: {  	[sflag:s15] =	ssyncset.done $0x0  }
0x5f: {  	[sflag:s15] =	ssyncadd.s32 $0xFFFFF000  }
0x60: {  	[tilespmem:$0xD180] =	vst v0  }
0x61: {  	[tilespmem:$0xD190] =	vst v0  }
0x62: {  	[tilespmem:$0xD1A0] =	vst v0  }
0x63: {  	[tilespmem:$0xD1B0] =	vst v0  }
0x64: {  	[tilespmem:$0xD1C0] =	vst v0  }
0x65: {  	[tilespmem:$0xD1D0] =	vst v0  }
0x66: {  	[tilespmem:$0xD1E0] =	vst v0  }
0x67: {  	[tilespmem:$0xD1F0] =	vst v0  }
0x68: {  	[tilespmem:$0xD200] =	vst v0  }
0x69: {  	[tilespmem:$0xD210] =	vst v0  }
0x6a: {  	[tilespmem:$0xD220] =	vst v0  }
0x6b: {  	[tilespmem:$0xD230] =	vst v0  }
0x6c: {  	[tilespmem:$0xD240] =	vst v0  }
0x6d: {  	[tilespmem:$0xD250] =	vst v0  }
0x6e: {  	[tilespmem:$0xD260] =	vst v0  }
0x6f: {  	[tilespmem:$0xD270] =	vst v0  }
0x70: {  	[tilespmem:$0xD280] =	vst v0  }
0x71: {  	[tilespmem:$0xD290] =	vst v0  }
0x72: {  	[tilespmem:$0xD2A0] =	vst v0  }
0x73: {  	[tilespmem:$0xD2B0] =	vst v0  }
0x74: {  	[tilespmem:$0xD2C0] =	vst v0  }
0x75: {  	[tilespmem:$0xD2D0] =	vst v0  }
0x76: {  	[tilespmem:$0xD2E0] =	vst v0  }
0x77: {  	[tilespmem:$0xD2F0] =	vst v0  }
0x78: {  	[tilespmem:$0xD300] =	vst v0  }
0x79: {  	[tilespmem:$0xD310] =	vst v0  }
0x7a: {  	[tilespmem:$0xD320] =	vst v0  }
0x7b: {  	[tilespmem:$0xD330] =	vst v0  }
0x7c: {  	[tilespmem:$0xD340] =	vst v0  }
0x7d: {  	[tilespmem:$0xD350] =	vst v0  }
0x7e: {  	[tilespmem:$0xD360] =	vst v0  }
0x7f: {  	[tilespmem:$0xD370] =	vst v0  }
0x80: {  	[tilespmem:$0xD380] =	vst v0  }
0x81: {  	[tilespmem:$0xD390] =	vst v0  }
0x82: {  	[tilespmem:$0xD3A0] =	vst v0  }
0x83: {  	[tilespmem:$0xD3B0] =	vst v0  }
0x84: {  	[tilespmem:$0xD3C0] =	vst v0  }
0x85: {  	[tilespmem:$0xD3D0] =	vst v0  }
0x86: {  	[tilespmem:$0xD3E0] =	vst v0  }
0x87: {  	s28 =	simm.s32 $0xD180;
	[tilespmem:$0xD3F0] =	vst v0  }
0x88: {  	[spmem:s18] =	stream.linear.scatter [tilespmem:s28], [sflag:$0x2], $0x280, $0x38;
	[tilespmem:$0xD680] =	vst v63  }
0x89: {  	_ =	swait.ge [sflag:s15], $0x280  }
0x8a: {  	[sflag:s15] =	ssyncset.done $0x0  }
0x8b: {  	[sflag:s15] =	ssyncadd.s32 $0xFFFFFD80  }
0x8c: {  	[tilespmem:$0xD100] =	vst v1  }
0x8d: {  	[tilespmem:$0xD110] =	vst v1  }
0x8e: {  	[tilespmem:$0xD120] =	vst v1  }
0x8f: {  	[tilespmem:$0xD130] =	vst v1  }
0x90: {  	[tilespmem:$0xD140] =	vst v1  }
0x91: {  	[tilespmem:$0xD150] =	vst v1  }
0x92: {  	[tilespmem:$0xD160] =	vst v1  }
0x93: {  	[tilespmem:$0xD170] =	vst v1  }
0x94: {  	s28 =	sadd.s32 $0x0, s22;
	[bflag:$0x0] =	sbarrier.arrive $0xFFFF  }
0x95: {  	[tilespmem:s1], [sflag:$0x2] =	stream.linear.gather [hbm4b:s28+s1], $0x80, $0x38;
	[tilespmem:$0xD680] =	vst v63  }
0x96: {  	_ =	swait.ge [sflag:s15], $0x80  }
0x97: {  	[sflag:s15] =	ssyncset.done $0x0  }
0x98: {  	s28 =	sadd.s32 $0x0, s21;
	[sflag:s15] =	ssyncadd.s32 $0xFFFFFF80  }
0x99: {  	[tilespmem:s19], [sflag:$0x2] =	stream.linear.gather [hbm4b:s28+s1], $0x80, $0x38;
	[tilespmem:$0xD680] =	vst v63  }
0x9a: {  	_ =	swait.ge [sflag:s15], $0x80  }
0x9b: {  	[sflag:s15] =	ssyncset.done $0x0  }
0x9c: {  	[sflag:s15] =	ssyncadd.s32 $0xFFFFFF80  }
0x9d: {  	v2 =	vld [tilespmem:$0xF0]  }
0x9e: {  	v3 =	vld [tilespmem:$0xD0]  }
0x9f: {  	v4 =	vld [tilespmem:$0xC0]  }
0xa0: {  	v5 =	vld [tilespmem:$0x50]  }
0xa1: {  	v6 =	vld [tilespmem:$0xB0]  }
0xa2: {  	v7 =	vld [tilespmem:$0x40]  }
0xa3: {  	v8 =	vld [tilespmem:$0xA0]  }
0xa4: {  	v9 =	vld [tilespmem:$0x30]  }
0xa5: {  	v10 =	vld [tilespmem:$0x10]  }
0xa6: {  	v13 =	vld [tilespmem:$0x90]  }
0xa7: {  	v60 =	vld [tilespmem:$0x70]  }
0xa8: {  	v11 =	vld [tilespmem:$0x80]  }
0xa9: {  	v62 =	vld [tilespmem:$0x0]  }
0xaa: {  	v12 =	vld [tilespmem:$0x20];
	vm0 =	veq.s32 v5, v3  }
0xab: {  	v14 =	vld [tilespmem:$0xE0];
	vm12 =	veq.s32 v10, v13;
	v3 =	vsel vm0, $0x2710, v3  }
0xac: {  	v61 =	vld [tilespmem:$0x60];
	vm13 =	veq.s32 v60, v2;
	v63 =	vsel vm12, $0x2710, v13;
	[tilespmem:$0xD0] =	vst v3  }
0xad: {  	vm10 =	veq.s32 v7, v4;
	v2 =	vsel vm13, $0x2710, v2;
	[tilespmem:$0x90] =	vst v63  }
0xae: {  	vm15 =	veq.s32 v62, v11;
	v3 =	vsel vm10, $0x2710, v4;
	[tilespmem:$0xF0] =	vst v2  }
0xaf: {  	vm11 =	veq.s32 v9, v6;
	v2 =	vsel vm15, $0x2710, v11;
	[tilespmem:$0xC0] =	vst v3  }
0xb0: {  	vm1 =	veq.s32 v12, v8;
	v3 =	vsel vm11, $0x2710, v6;
	[tilespmem:$0x80] =	vst v2  }
0xb1: {  	vm14 =	veq.s32 v61, v14;
	[tilespmem:$0xB0] =	vst v3;
	v3 =	vsel vm1, $0x2710, v8  }
0xb2: {  	[tilespmem:$0xA0] =	vst v3;
	v3 =	vsel vm14, $0x2710, v14  }
0xb3: {  	s29 =	sadd.s32 $0x0, s20;
	s28 =	simm.s32 $0x10;
	[tilespmem:$0xE0] =	vst v3  }
.LBB2_4:
0xb4: {  	[hbm4b:s29+s1] =	stream.linear.scatter [tilespmem:s19], [sflag:$0x2], $0x80, $0x38;
	[tilespmem:$0xD680] =	vst v63  }
0xb5: {  	s29 =	smov.u32 s28  }
0xb6: {  	p0 =	sne.s32 s28, $0x4E0;
	s28 =	sadd.s32 $0x10, s28;
	_ =	swait.ge [sflag:s15], $0x80  }
0xb7: {  	[sflag:s15] =	ssyncset.done $0x0  }
0xb8: {  	[sflag:s15] =	ssyncadd.s32 $0xFFFFFF80  }
0xb9: {  	[tilespmem:s23], [sflag:$0x1] =	stream.indirect.gather [hbm4b:s16+s19], $0x40, s1, s19, $0xb8;
	[tilespmem:$0xD680] =	vst v63  }
0xba: {  	_ =	swait.ge [sflag:s24], $0x2000  }
0xbb: {  	[sflag:s24] =	ssyncset.done $0x0  }
0xbc: {  	[sflag:s24] =	ssyncadd.s32 $0xFFFFE000  }
0xbd: {  	[spmem:s12] =	stream.indirect.scatter.add.f32 [tilespmem:s23], [sflag:$0x2], $0x40, s19, s19, $0xb8;
	[tilespmem:$0xD680] =	vst v63  }
0xbe: {  	_ =	swait.ge [sflag:s15], $0x2000  }
0xbf: {  	[sflag:s15] =	ssyncset.done $0x0  }
0xc0: {  	[sflag:s15] =	ssyncadd.s32 $0xFFFFE000  }
0xc1: {  	[spmem:s13] =	stream.indirect.scatter.add.f32 [tilespmem:s25], [sflag:$0x2], $0x1, s19, s19, $0xb8;
	[tilespmem:$0xD680] =	vst v63  }
0xc2: {  	_ =	swait.ge [sflag:s15], $0x80  }
0xc3: {  	[sflag:s15] =	ssyncset.done $0x0  }
0xc4: {  	s30 =	sadd.s32 s29, s22;
	[sflag:s15] =	ssyncadd.s32 $0xFFFFFF80  }
0xc5: {  	[tilespmem:s1], [sflag:$0x2] =	stream.linear.gather [hbm4b:s30+s1], $0x80, $0x38;
	[tilespmem:$0xD680] =	vst v63  }
0xc6: {  	_ =	swait.ge [sflag:s15], $0x80  }
0xc7: {  	[sflag:s15] =	ssyncset.done $0x0  }
0xc8: {  	s30 =	sadd.s32 s29, s21;
	[sflag:s15] =	ssyncadd.s32 $0xFFFFFF80  }
0xc9: {  	[tilespmem:s19], [sflag:$0x2] =	stream.linear.gather [hbm4b:s30+s1], $0x80, $0x38;
	[tilespmem:$0xD680] =	vst v63  }
0xca: {  	_ =	swait.ge [sflag:s15], $0x80  }
0xcb: {  	[sflag:s15] =	ssyncset.done $0x0  }
0xcc: {  	[sflag:s15] =	ssyncadd.s32 $0xFFFFFF80  }
0xcd: {  	v2 =	vld [tilespmem:$0xF0]  }
0xce: {  	v3 =	vld [tilespmem:$0xD0]  }
0xcf: {  	v4 =	vld [tilespmem:$0xC0]  }
0xd0: {  	v5 =	vld [tilespmem:$0x50]  }
0xd1: {  	v6 =	vld [tilespmem:$0xB0]  }
0xd2: {  	v7 =	vld [tilespmem:$0x40]  }
0xd3: {  	v8 =	vld [tilespmem:$0xA0]  }
0xd4: {  	v9 =	vld [tilespmem:$0x30]  }
0xd5: {  	v10 =	vld [tilespmem:$0x10];
	vm0 =	veq.s32 v5, v3  }
0xd6: {  	v5 =	vld [tilespmem:$0x80];
	v3 =	vsel vm0, $0x2710, v3  }
0xd7: {  	v11 =	vld [tilespmem:$0x20];
	vm0 =	veq.s32 v7, v4;
	[tilespmem:$0xD0] =	vst v3  }
0xd8: {  	v3 =	vld [tilespmem:$0x90];
	v4 =	vsel vm0, $0x2710, v4  }
0xd9: {  	vm0 =	veq.s32 v9, v6;
	[tilespmem:$0xC0] =	vst v4;
	v4 =	vld [tilespmem:$0xE0]  }
0xda: {  	v6 =	vsel vm0, $0x2710, v6;
	v7 =	vld [tilespmem:$0x70]  }
0xdb: {  	[tilespmem:$0xB0] =	vst v6;
	v6 =	vld [tilespmem:$0x60]  }
0xdc: {  	v9 =	vld [tilespmem:$0x0];
	vm0 =	veq.s32 v11, v8  }
0xdd: {  	vm1 =	veq.s32 v10, v3;
	v8 =	vsel vm0, $0x2710, v8  }
0xde: {  	v3 =	vsel vm1, $0x2710, v3;
	[tilespmem:$0xA0] =	vst v8  }
.Ltmp1:
0xdf: {  	[tilespmem:$0x90] =	vst v3;
	vm0 =	veq.s32 v7, v2;
	(pc) =	sbr.rel @p0 .LBB2_4-.Ltmp1, $4  }
0xe0: {  	vm1 =	veq.s32 v6, v4;
	v2 =	vsel vm0, $0x2710, v2  }
0xe1: {  	vm0 =	veq.s32 v9, v5;
	v3 =	vsel vm1, $0x2710, v4;
	[tilespmem:$0xF0] =	vst v2  }
0xe2: {  	v2 =	vsel vm0, $0x2710, v5;
	[tilespmem:$0xE0] =	vst v3  }
0xe3: {  	s29 =	sadd.s32 s29, s20;
	[tilespmem:$0x80] =	vst v2  }
0xe4: {  	[hbm4b:s29+s1] =	stream.linear.scatter [tilespmem:s19], [sflag:$0x2], $0x80, $0x38;
	[tilespmem:$0xD680] =	vst v63  }
0xe5: {  	_ =	swait.ge [sflag:s15], $0x80  }
0xe6: {  	[sflag:s15] =	ssyncset.done $0x0  }
0xe7: {  	[sflag:s15] =	ssyncadd.s32 $0xFFFFFF80  }
0xe8: {  	[tilespmem:s23], [sflag:$0x1] =	stream.indirect.gather [hbm4b:s16+s19], $0x40, s1, s19, $0xb8;
	[tilespmem:$0xD680] =	vst v63  }
0xe9: {  	_ =	swait.ge [sflag:s24], $0x2000  }
0xea: {  	[sflag:s24] =	ssyncset.done $0x0  }
0xeb: {  	[sflag:s24] =	ssyncadd.s32 $0xFFFFE000  }
0xec: {  	[spmem:s12] =	stream.indirect.scatter.add.f32 [tilespmem:s23], [sflag:$0x2], $0x40, s19, s19, $0xb8;
	[tilespmem:$0xD680] =	vst v63  }
0xed: {  	_ =	swait.ge [sflag:s15], $0x2000  }
0xee: {  	[sflag:s15] =	ssyncset.done $0x0  }
0xef: {  	[sflag:s15] =	ssyncadd.s32 $0xFFFFE000  }
0xf0: {  	[spmem:s13] =	stream.indirect.scatter.add.f32 [tilespmem:s25], [sflag:$0x2], $0x1, s19, s19, $0xb8;
	[tilespmem:$0xD680] =	vst v63  }
0xf1: {  	_ =	swait.ge [sflag:s15], $0x80  }
0xf2: {  	[sflag:s15] =	ssyncset.done $0x0  }
0xf3: {  	[sflag:s15] =	ssyncadd.s32 $0xFFFFFF80  }
0xf4: {  	s28 =	stileid.u32;
	[bflag:$0x0] =	sbarrier.arrive $0xFFFF  }
0xf5: {  	s28 =	sshll.u32 s28, $0x6;
	s29 =	rddreg [dreg:$0x6]  }
0xf6: {  	s28 =	sor.u32 $0x1C02, s28;
	s30 =	rddreg [dreg:$0x11]  }
0xf7: {  	[hbm:s29], [sflag:s28] =	dma.local [spmem:s30], $0x200  }
0xf8: {  	_ =	swait.ge [sflag:s15], $0x200  }
0xf9: {  	[sflag:s15] =	ssyncset.done $0x0;
	s29 =	rddreg [dreg:$0x7]  }
0xfa: {  	s30 =	rddreg [dreg:$0x12];
	[sflag:s15] =	ssyncadd.s32 $0xFFFFFE00  }
0xfb: {  	[hbm:s29], [sflag:s28] =	dma.local [spmem:s30], $0x200  }
0xfc: {  	_ =	swait.ge [sflag:s15], $0x200  }
0xfd: {  	[sflag:s15] =	ssyncset.done $0x0;
	s29 =	rddreg [dreg:$0x8]  }
0xfe: {  	s30 =	rddreg [dreg:$0x13];
	[sflag:s15] =	ssyncadd.s32 $0xFFFFFE00  }
0xff: {  	[hbm:s29], [sflag:s28] =	dma.local [spmem:s30], $0x200  }
0x100: {  	_ =	swait.ge [sflag:s15], $0x200  }
0x101: {  	[sflag:s15] =	ssyncset.done $0x0;
	s29 =	rddreg [dreg:$0x9]  }
0x102: {  	s30 =	rddreg [dreg:$0x14];
	[sflag:s15] =	ssyncadd.s32 $0xFFFFFE00  }
0x103: {  	[hbm:s29], [sflag:s28] =	dma.local [spmem:s30], $0x200  }
0x104: {  	_ =	swait.ge [sflag:s15], $0x200  }
0x105: {  	[sflag:s15] =	ssyncset.done $0x0;
	s29 =	rddreg [dreg:$0xa]  }
0x106: {  	s30 =	rddreg [dreg:$0x15];
	[sflag:s15] =	ssyncadd.s32 $0xFFFFFE00  }
0x107: {  	[hbm:s29], [sflag:s28] =	dma.local [spmem:s30], $0x200  }
0x108: {  	_ =	swait.ge [sflag:s15], $0x200  }
0x109: {  	[sflag:s15] =	ssyncset.done $0x0;
	s29 =	rddreg [dreg:$0xb]  }
0x10a: {  	s30 =	rddreg [dreg:$0x16];
	[sflag:s15] =	ssyncadd.s32 $0xFFFFFE00  }
0x10b: {  	[hbm:s29], [sflag:s28] =	dma.local [spmem:s30], $0x200  }
0x10c: {  	_ =	swait.ge [sflag:s15], $0x200  }
0x10d: {  	[sflag:s15] =	ssyncset.done $0x0;
	s29 =	rddreg [dreg:$0xc]  }
0x10e: {  	s30 =	rddreg [dreg:$0x17];
	[sflag:s15] =	ssyncadd.s32 $0xFFFFFE00  }
0x10f: {  	[hbm:s29], [sflag:s28] =	dma.local [spmem:s30], $0x200  }
0x110: {  	_ =	swait.ge [sflag:s15], $0x200  }
0x111: {  	[sflag:s15] =	ssyncset.done $0x0  }
0x112: {  	s30 =	rddreg [dreg:$0xd];
	[sflag:s15] =	ssyncadd.s32 $0xFFFFFE00  }
0x113: {  	[hbm:s30], [sflag:s28] =	dma.local [spmem:s31], $0x200  }
0x114: {  	_ =	swait.ge [sflag:s15], $0x200  }
0x115: {  	[sflag:s15] =	ssyncset.done $0x0  }
0x116: {  	s30 =	rddreg [dreg:$0xe];
	[sflag:s15] =	ssyncadd.s32 $0xFFFFFE00  }
0x117: {  	[hbm:s30], [sflag:s28] =	dma.local [spmem:s11], $0x200  }
0x118: {  	_ =	swait.ge [sflag:s15], $0x200  }
0x119: {  	[sflag:s15] =	ssyncset.done $0x0  }
0x11a: {  	s30 =	rddreg [dreg:$0xf];
	[sflag:s15] =	ssyncadd.s32 $0xFFFFFE00  }
0x11b: {  	[hbm:s30], [sflag:s28] =	dma.local [spmem:s0], $0x200  }
0x11c: {  	_ =	swait.ge [sflag:s15], $0x200  }
0x11d: {  	[sflag:s15] =	ssyncset.done $0x0  }
0x11e: {  	s29 =	sshrl.u32 s18, $0x3;
	s30 =	rddreg [dreg:$0x5];
	[sflag:s15] =	ssyncadd.s32 $0xFFFFFE00  }
0x11f: {  	[hbm:s30], [sflag:s28] =	dma.local [spmem:s29], $0x50  }
0x120: {  	_ =	swait.ge [sflag:s15], $0x50  }
0x121: {  	s26 =	sadd.s32 $0x1, s26;
	s30 =	rddreg [dreg:$0x10]  }
0x122: {  	p0 =	sne.s32 s26, s30  }
.Ltmp2:
0x123: {  	_ = 	snop;
	(pc) =	sbr.rel @p0 .LBB2_1-.Ltmp2, $3  }
0x124: {  	_ =	sdelay $0x1  }
0x125: {  	[sflag:s15] =	ssyncset.done $0x0  }
0x126: {  	[sflag:s15] =	ssyncadd.s32 $0xFFFFFFB0  }
0x127: {  	_ =	sfence.sel $0x180000  }
0x128: {  	[bflag:$0x0] =	sbarrier.arrive $0xFFFF  }
0x129: {  	_ =	strace $0x90000047  }
0x12a: {  	s0 =	stileid.u32;
	[bflag:$0x2] =	sbarrier.arrive $0xFFFF  }
0x12b: {  	p0 =	sne.s32 s0, $0x0;
	s0 =	rddreg [dreg:$0x4]  }
0x12c: {  	s0 =	sadd.s32 @!p0 $0x100000, s0  }
0x12d: {  	[sflag:s0] =	ssyncadd.tile.s32 @!p0 $0x1;
	_ =	shalt  }
.Lfunc_end2:
_tile_overlayer_lowered:
.L_overlay_start_2:
0x12e: {  	(tag) =	ssettag $0x2  }
0x12f: {  	s0 =	rddreg [dreg:$0x0];
	s2 =	stileid.u32  }
0x130: {  	s1 =	rddreg [dreg:$0x1];
	p0 =	sne.s32 s2, $0x0  }
0x131: {  	s3 =	rddreg [dreg:$0x2];
	[bflag:$0x3] =	sbarrier.arrive $0xFFFF;
	s2 =	simm.s32 @!p0 $0x1C02  }
0x132: {  	[timem:s3], [sflag:s2] =	dma.local @!p0 [hbm:s0], s1  }
0x133: {  	s0 =	simm.s32 @!p0 $0x2  }
0x134: {  	_ =	swait.ge @!p0 [sflag:s0], s1  }
0x135: {  	s1 =	ssub.s32 @!p0 $0x0, s1;
	[sflag:s0] =	ssyncset.done @!p0 $0x0  }
0x136: {  	[sflag:s0] =	ssyncadd.s32 @!p0 s1  }
0x137: {  	[bflag:$0x3] =	sbarrier.arrive $0xFFFF  }
0x138: {  	_ =	shalt  }

</sc_bundles>
